<compile_context>
chip_gen: v7x
topology: tpu7x:2x2x1
jax: 0.10.2.dev20260603
libtpu: 0.0.44.dev20260713+nightly
codegen_flags: <defaults>
</compile_context>

<pallas_src>
import functools
import math

import jax
import jax.numpy as jnp
from jax import lax
from jax.experimental import pallas as pl
from jax.experimental.pallas import tpu as pltpu
from jax.experimental.pallas import tpu_sc as plsc

B, L, OMEGA = 4096, 200, 64
D = 2 * OMEGA
VOCAB = 256
MAX_SEQ_LEN = 512
ALPHA = 2.0 * math.pi / MAX_SEQ_LEN
N = B * L

NC, NS = 2, 16
NW = NC * NS
PER_W = N // NW
C = 128
NCHUNK = PER_W // C
NROW = PER_W // 128

LBLK = 25


def _g2_body(table_ref, w_ref, b_ref, g2_ref):
    t = table_ref[...]
    z = lax.dot_general(t, w_ref[...], (((1,), (1,)), ((), ())),
                        preferred_element_type=jnp.float32)
    g = t * jax.nn.sigmoid(z + b_ref[...])
    g2_ref[...] = jnp.concatenate([g, g], axis=1)


def _f_body(g2_ref, f_ref):
    blk = pl.program_id(0)
    li = blk * LBLK + lax.broadcasted_iota(jnp.int32, (LBLK, D), 0)
    phi = ALPHA * li.astype(jnp.float32)
    col = lax.broadcasted_iota(jnp.int32, (LBLK, D), 1)
    cs = jnp.where(col < OMEGA, jnp.cos(phi), jnp.sin(phi))
    f_ref[...] = g2_ref[...][None, :, :] * cs[:, None, :]


def _build_f(table, w_gate, b_gate, interpret=False):
    g2 = pl.pallas_call(
        _g2_body,
        out_shape=jax.ShapeDtypeStruct((VOCAB, D), jnp.float32),
        interpret=interpret,
    )(table, w_gate, b_gate.reshape(1, OMEGA))
    return pl.pallas_call(
        _f_body,
        grid=(L // LBLK,),
        in_specs=[pl.BlockSpec((VOCAB, D), lambda l: (0, 0))],
        out_specs=pl.BlockSpec((LBLK, VOCAB, D), lambda l: (l, 0, 0)),
        out_shape=jax.ShapeDtypeStruct((L, VOCAB, D), jnp.float32),
        interpret=interpret,
    )(g2)


def _sc_lookup(f_flat, x_flat):
    mesh = plsc.VectorSubcoreMesh(core_axis_name="c", subcore_axis_name="s")

    @functools.partial(
        pl.kernel,
        mesh=mesh,
        out_type=jax.ShapeDtypeStruct((N, D), jnp.float32),
        scratch_types=[
            pltpu.VMEM((PER_W,), jnp.int32),
            pltpu.VMEM((NROW, 128), jnp.int32),
            pltpu.VMEM((C, D), jnp.float32),
            pltpu.VMEM((C, D), jnp.float32),
            pltpu.VMEM((C, D), jnp.float32),
            pltpu.VMEM((C, D), jnp.float32),
            pltpu.SemaphoreType.DMA,
            pltpu.SemaphoreType.DMA,
            pltpu.SemaphoreType.DMA,
            pltpu.SemaphoreType.DMA,
            pltpu.SemaphoreType.DMA,
            pltpu.SemaphoreType.DMA,
            pltpu.SemaphoreType.DMA,
            pltpu.SemaphoreType.DMA,
        ],
    )
    def k(f_hbm, x_hbm, out_hbm, x_v, idx_v, r0, r1, r2, r3,
          gs0, gs1, gs2, gs3, ss0, ss1, ss2, ss3):
        cid = lax.axis_index("c")
        sid = lax.axis_index("s")
        wid = sid * NC + cid
        wbase = wid * PER_W
        bufs = (r0, r1, r2, r3)
        gsems = (gs0, gs1, gs2, gs3)
        ssems = (ss0, ss1, ss2, ss3)

        pltpu.sync_copy(x_hbm.at[pl.ds(wbase, PER_W)], x_v)

        def idx_row(r, carry):
            for i in range(8):
                off = r * 128 + i * 16
                pos = wbase + off + lax.iota(jnp.int32, 16)
                lpos = lax.rem(pos, L)
                idx_v[r, pl.ds(i * 16, 16)] = lpos * VOCAB + x_v[pl.ds(off, 16)]
            return carry

        lax.fori_loop(0, NROW, idx_row, 0)

        def fire_gather(g, bi):
            pltpu.async_copy(f_hbm.at[idx_v.at[g]], bufs[bi], gsems[bi])

        def wait_gather(bi):
            pltpu.make_async_copy(
                f_hbm.at[idx_v.at[0]], bufs[bi], gsems[bi]).wait()

        def fire_scatter(g, bi):
            pltpu.async_copy(
                bufs[bi], out_hbm.at[pl.ds(wbase + g * C, C)], ssems[bi])

        def drain_scatter(bi):
            pltpu.make_async_copy(
                bufs[bi], out_hbm.at[pl.ds(wbase, C)], ssems[bi]).wait()

        fire_gather(0, 0)
        fire_gather(1, 1)
        wait_gather(0)
        fire_scatter(0, 0)
        fire_gather(2, 2)
        wait_gather(1)
        fire_scatter(1, 1)
        fire_gather(3, 3)

        def body(go, carry):
            for b in range(4):
                g = 4 * go + 2 + b
                bi = (2 + b) % 4
                wait_gather(bi)
                fire_scatter(g, bi)
                drain_scatter(b)
                fire_gather(g + 2, b)
            return carry

        lax.fori_loop(0, (NCHUNK - 4) // 4, body, 0)
        wait_gather(2)
        fire_scatter(NCHUNK - 2, 2)
        wait_gather(3)
        fire_scatter(NCHUNK - 1, 3)
        for bi in range(4):
            drain_scatter(bi)

    return k(f_flat, x_flat)


def kernel(x, table, W_gate, b_gate):
    f = _build_f(table, W_gate, b_gate)
    out = _sc_lookup(f.reshape(L * VOCAB, D), x.reshape(N))
    return out.reshape(B, L, D)

# --- scband reference (transcript-rebuilt; emitter-appended) ---
"""Pipeline reference for scband-dsnembedding-36919538877124 (READ-ONLY COPY).

The authoritative reference and input builder live on the scoring server;
editing this copy changes nothing except your own understanding.
"""

import math
import jax, jax.numpy as jnp
import numpy as np

B, L, OMEGA = 4096, 200, 64
VOCAB = 256
MAX_SEQ_LEN = 512

def setup_inputs(seed: int = 0) -> dict:
    key = jax.random.key(seed)
    k1, k2, k3, k4 = jax.random.split(key, 4)
    x = jax.random.randint(k1, (B, L), 0, VOCAB, dtype=jnp.int32)
    table = jax.random.normal(k2, (VOCAB, OMEGA), dtype=jnp.float32)
    W_gate = jax.random.normal(k3, (OMEGA, OMEGA), dtype=jnp.float32) * (1.0 / math.sqrt(OMEGA))
    b_gate = jax.random.normal(k4, (OMEGA,), dtype=jnp.float32) * 0.01
    return {"x": x, "table": table, "W_gate": W_gate, "b_gate": b_gate}

def reference(x, table, W_gate, b_gate):
    # embedding lookup: (B, L) -> (B, L, OMEGA)
    amp = jnp.take(table, x, axis=0)
    # dynamic depth gating
    gate = jax.nn.sigmoid(jnp.einsum('blo,po->blp', amp, W_gate) + b_gate)
    amp = amp * gate
    # phi-rotary phase encoding
    alpha = 2.0 * math.pi / MAX_SEQ_LEN
    phi = (alpha * jnp.arange(L, dtype=jnp.float32)).reshape(1, L, 1)
    cos_phi = jnp.cos(phi)
    sin_phi = jnp.sin(phi)
    embed = jnp.concatenate([amp * cos_phi, amp * sin_phi], axis=-1)
    return embed

if __name__ == "__main__":
    import jax
    _d = setup_inputs()
    print(jax.jit(kernel)(*tuple(_d.values())))

</pallas_src>

<mosaic_0001>
#map = affine_map<(d0, d1) -> (0, 0)>
#map1 = affine_map<(d0, d1) -> (0)>
module attributes {stable_mosaic.version = 14 : i64} {
  func.func @k(%arg0: i32, %arg1: i32, %arg2: memref<51200x128xf32, #tpu.memory_space<hbm>>, %arg3: memref<819200xi32, #tpu.memory_space<hbm>>, %arg4: memref<819200x128xf32, #tpu.memory_space<hbm>>, %arg5: memref<25600xi32, #tpu.memory_space<vmem>>, %arg6: memref<200x128xi32, #tpu.memory_space<vmem>>, %arg7: memref<128x128xf32, #tpu.memory_space<vmem>>, %arg8: memref<128x128xf32, #tpu.memory_space<vmem>>, %arg9: memref<128x128xf32, #tpu.memory_space<vmem>>, %arg10: memref<128x128xf32, #tpu.memory_space<vmem>>, %arg11: memref<!tpu.dma_semaphore, #tpu.memory_space<semaphore_mem>>, %arg12: memref<!tpu.dma_semaphore, #tpu.memory_space<semaphore_mem>>, %arg13: memref<!tpu.dma_semaphore, #tpu.memory_space<semaphore_mem>>, %arg14: memref<!tpu.dma_semaphore, #tpu.memory_space<semaphore_mem>>, %arg15: memref<!tpu.dma_semaphore, #tpu.memory_space<semaphore_mem>>, %arg16: memref<!tpu.dma_semaphore, #tpu.memory_space<semaphore_mem>>, %arg17: memref<!tpu.dma_semaphore, #tpu.memory_space<semaphore_mem>>, %arg18: memref<!tpu.dma_semaphore, #tpu.memory_space<semaphore_mem>>) attributes {dimension_semantics = [#tpu.dimension_semantics<core_parallel>, #tpu.dimension_semantics<subcore_parallel>], iteration_bounds = array<i64: 2, 16>, scalar_prefetch = 0 : i64, scratch_operands = 14 : i64, tpu.core_type = #tpu.core_type<sc_vector_subcore>, window_params = [{transform_indices = #map}, {transform_indices = #map1}, {transform_indices = #map}]} {
    %mul3A = arith.constant 2 : i32
    %mul3A_0 = arith.muli %arg1, %mul3A : i32
    %add3A = arith.addi %mul3A_0, %arg0 : i32
    %mul3A_1 = arith.constant 25600 : i32
    %mul3A_2 = arith.muli %add3A, %mul3A_1 : i32
    "tpu.region"() ({
      %run_scoped3A = tpu.sem_alloc : memref<!tpu.dma_semaphore, #tpu.memory_space<semaphore_mem>>
      %dma_start3A_108 = tpu.memref_slice %arg3[%mul3A_2] : memref<819200xi32, #tpu.memory_space<hbm>> -> memref<25600xi32, #tpu.memory_space<hbm>>
      %dma_start3A_109 = tpu.memref_slice %arg3[%mul3A_2] : memref<819200xi32, #tpu.memory_space<hbm>> -> memref<25600xi32, #tpu.memory_space<hbm>>
      tpu.enqueue_dma source(%dma_start3A_109 : memref<25600xi32, #tpu.memory_space<hbm>>) target(%arg5 : memref<25600xi32, #tpu.memory_space<vmem>>) target_semaphore(%run_scoped3A : memref<!tpu.dma_semaphore, #tpu.memory_space<semaphore_mem>>)
      %dma_wait3A_110 = tpu.memref_slice %arg3[%mul3A_2] : memref<819200xi32, #tpu.memory_space<hbm>> -> memref<25600xi32, #tpu.memory_space<hbm>>
      %dma_wait3A_111 = tpu.memref_slice %arg3[%mul3A_2] : memref<819200xi32, #tpu.memory_space<hbm>> -> memref<25600xi32, #tpu.memory_space<hbm>>
      tpu.wait_dma2 semaphore(%run_scoped3A : memref<!tpu.dma_semaphore, #tpu.memory_space<semaphore_mem>>) src(%dma_wait3A_111 : memref<25600xi32, #tpu.memory_space<hbm>>) dst(%arg5 : memref<25600xi32, #tpu.memory_space<vmem>>)
      tpu.yield
    }) : () -> ()
    %scan3A = arith.constant 0 : i32
    %scan3A_3 = arith.constant 0 : i32
    %scan3A_4 = arith.constant 200 : i32
    %scan3A_5 = arith.addi %scan3A_3, %scan3A_4 : i32
    %scan3A_6 = arith.constant 1 : i32
    scf.for %scan3A_108 = %scan3A_3 to %scan3A_5 step %scan3A_6  : i32 {
      %mul3A_109 = arith.constant 128 : i32
      %mul3A_110 = arith.muli %scan3A_108, %mul3A_109 : i32
      %add3A_111 = arith.constant 0 : i32
      %add3A_112 = arith.addi %mul3A_110, %add3A_111 : i32
      %add3A_113 = arith.addi %mul3A_2, %add3A_112 : i32
      %iota3A = tpu.iota {dimensions = array<i32: 0>} : vector<16xi32>
      %add3A_114 = vector.broadcast %add3A_113 : i32 to vector<16xi32>
      %add3A_115 = arith.addi %add3A_114, %iota3A : vector<16xi32>
      %rem3A = arith.constant 200 : i32
      %rem3A_116 = vector.broadcast %rem3A : i32 to vector<16xi32>
      %rem3A_117 = arith.remsi %add3A_115, %rem3A_116 : vector<16xi32>
      %mul3A_118 = arith.constant 256 : i32
      %mul3A_119 = vector.broadcast %mul3A_118 : i32 to vector<16xi32>
      %mul3A_120 = arith.muli %rem3A_117, %mul3A_119 : vector<16xi32>
      %get3A = arith.index_cast %add3A_112 : i32 to index
      %get3A_121 = tpu.vector_load %arg5[%get3A] {strides = array<i32>} : memref<25600xi32, #tpu.memory_space<vmem>>, vector<16xi32>,
      %get3A_122 = vector.shape_cast %get3A_121 : vector<16xi32> to vector<16xi32>
      %add3A_123 = arith.addi %mul3A_120, %get3A_122 : vector<16xi32>
      %swap3A = arith.index_cast %scan3A_108 : i32 to index
      %swap3A_124 = arith.constant 0 : index
      %swap3A_125 = tpu.vector_load %arg6[%swap3A, %swap3A_124] {strides = array<i32>} : memref<200x128xi32, #tpu.memory_space<vmem>>, vector<1x16xi32>,
      %swap3A_126 = vector.shape_cast %swap3A_125 : vector<1x16xi32> to vector<16xi32>
      %swap3A_127 = vector.shape_cast %add3A_123 : vector<16xi32> to vector<1x16xi32>
      tpu.vector_store %arg6[%swap3A, %swap3A_124], %swap3A_127 {strides = array<i32>} : memref<200x128xi32, #tpu.memory_space<vmem>>, vector<1x16xi32>,
      %mul3A_128 = arith.constant 128 : i32
      %mul3A_129 = arith.muli %scan3A_108, %mul3A_128 : i32
      %add3A_130 = arith.constant 16 : i32
      %add3A_131 = arith.addi %mul3A_129, %add3A_130 : i32
      %add3A_132 = arith.addi %mul3A_2, %add3A_131 : i32
      %iota3A_133 = tpu.iota {dimensions = array<i32: 0>} : vector<16xi32>
      %add3A_134 = vector.broadcast %add3A_132 : i32 to vector<16xi32>
      %add3A_135 = arith.addi %add3A_134, %iota3A_133 : vector<16xi32>
      %rem3A_136 = arith.constant 200 : i32
      %rem3A_137 = vector.broadcast %rem3A_136 : i32 to vector<16xi32>
      %rem3A_138 = arith.remsi %add3A_135, %rem3A_137 : vector<16xi32>
      %mul3A_139 = arith.constant 256 : i32
      %mul3A_140 = vector.broadcast %mul3A_139 : i32 to vector<16xi32>
      %mul3A_141 = arith.muli %rem3A_138, %mul3A_140 : vector<16xi32>
      %get3A_142 = arith.index_cast %add3A_131 : i32 to index
      %get3A_143 = tpu.vector_load %arg5[%get3A_142] {strides = array<i32>} : memref<25600xi32, #tpu.memory_space<vmem>>, vector<16xi32>,
      %get3A_144 = vector.shape_cast %get3A_143 : vector<16xi32> to vector<16xi32>
      %add3A_145 = arith.addi %mul3A_141, %get3A_144 : vector<16xi32>
      %swap3A_146 = arith.index_cast %scan3A_108 : i32 to index
      %swap3A_147 = arith.constant 16 : index
      %swap3A_148 = tpu.vector_load %arg6[%swap3A_146, %swap3A_147] {strides = array<i32>} : memref<200x128xi32, #tpu.memory_space<vmem>>, vector<1x16xi32>,
      %swap3A_149 = vector.shape_cast %swap3A_148 : vector<1x16xi32> to vector<16xi32>
      %swap3A_150 = vector.shape_cast %add3A_145 : vector<16xi32> to vector<1x16xi32>
      tpu.vector_store %arg6[%swap3A_146, %swap3A_147], %swap3A_150 {strides = array<i32>} : memref<200x128xi32, #tpu.memory_space<vmem>>, vector<1x16xi32>,
      %mul3A_151 = arith.constant 128 : i32
      %mul3A_152 = arith.muli %scan3A_108, %mul3A_151 : i32
      %add3A_153 = arith.constant 32 : i32
      %add3A_154 = arith.addi %mul3A_152, %add3A_153 : i32
      %add3A_155 = arith.addi %mul3A_2, %add3A_154 : i32
      %iota3A_156 = tpu.iota {dimensions = array<i32: 0>} : vector<16xi32>
      %add3A_157 = vector.broadcast %add3A_155 : i32 to vector<16xi32>
      %add3A_158 = arith.addi %add3A_157, %iota3A_156 : vector<16xi32>
      %rem3A_159 = arith.constant 200 : i32
      %rem3A_160 = vector.broadcast %rem3A_159 : i32 to vector<16xi32>
      %rem3A_161 = arith.remsi %add3A_158, %rem3A_160 : vector<16xi32>
      %mul3A_162 = arith.constant 256 : i32
      %mul3A_163 = vector.broadcast %mul3A_162 : i32 to vector<16xi32>
      %mul3A_164 = arith.muli %rem3A_161, %mul3A_163 : vector<16xi32>
      %get3A_165 = arith.index_cast %add3A_154 : i32 to index
      %get3A_166 = tpu.vector_load %arg5[%get3A_165] {strides = array<i32>} : memref<25600xi32, #tpu.memory_space<vmem>>, vector<16xi32>,
      %get3A_167 = vector.shape_cast %get3A_166 : vector<16xi32> to vector<16xi32>
      %add3A_168 = arith.addi %mul3A_164, %get3A_167 : vector<16xi32>
      %swap3A_169 = arith.index_cast %scan3A_108 : i32 to index
      %swap3A_170 = arith.constant 32 : index
      %swap3A_171 = tpu.vector_load %arg6[%swap3A_169, %swap3A_170] {strides = array<i32>} : memref<200x128xi32, #tpu.memory_space<vmem>>, vector<1x16xi32>,
      %swap3A_172 = vector.shape_cast %swap3A_171 : vector<1x16xi32> to vector<16xi32>
      %swap3A_173 = vector.shape_cast %add3A_168 : vector<16xi32> to vector<1x16xi32>
      tpu.vector_store %arg6[%swap3A_169, %swap3A_170], %swap3A_173 {strides = array<i32>} : memref<200x128xi32, #tpu.memory_space<vmem>>, vector<1x16xi32>,
      %mul3A_174 = arith.constant 128 : i32
      %mul3A_175 = arith.muli %scan3A_108, %mul3A_174 : i32
      %add3A_176 = arith.constant 48 : i32
      %add3A_177 = arith.addi %mul3A_175, %add3A_176 : i32
      %add3A_178 = arith.addi %mul3A_2, %add3A_177 : i32
      %iota3A_179 = tpu.iota {dimensions = array<i32: 0>} : vector<16xi32>
      %add3A_180 = vector.broadcast %add3A_178 : i32 to vector<16xi32>
      %add3A_181 = arith.addi %add3A_180, %iota3A_179 : vector<16xi32>
      %rem3A_182 = arith.constant 200 : i32
      %rem3A_183 = vector.broadcast %rem3A_182 : i32 to vector<16xi32>
      %rem3A_184 = arith.remsi %add3A_181, %rem3A_183 : vector<16xi32>
      %mul3A_185 = arith.constant 256 : i32
      %mul3A_186 = vector.broadcast %mul3A_185 : i32 to vector<16xi32>
      %mul3A_187 = arith.muli %rem3A_184, %mul3A_186 : vector<16xi32>
      %get3A_188 = arith.index_cast %add3A_177 : i32 to index
      %get3A_189 = tpu.vector_load %arg5[%get3A_188] {strides = array<i32>} : memref<25600xi32, #tpu.memory_space<vmem>>, vector<16xi32>,
      %get3A_190 = vector.shape_cast %get3A_189 : vector<16xi32> to vector<16xi32>
      %add3A_191 = arith.addi %mul3A_187, %get3A_190 : vector<16xi32>
      %swap3A_192 = arith.index_cast %scan3A_108 : i32 to index
      %swap3A_193 = arith.constant 48 : index
      %swap3A_194 = tpu.vector_load %arg6[%swap3A_192, %swap3A_193] {strides = array<i32>} : memref<200x128xi32, #tpu.memory_space<vmem>>, vector<1x16xi32>,
      %swap3A_195 = vector.shape_cast %swap3A_194 : vector<1x16xi32> to vector<16xi32>
      %swap3A_196 = vector.shape_cast %add3A_191 : vector<16xi32> to vector<1x16xi32>
      tpu.vector_store %arg6[%swap3A_192, %swap3A_193], %swap3A_196 {strides = array<i32>} : memref<200x128xi32, #tpu.memory_space<vmem>>, vector<1x16xi32>,
      %mul3A_197 = arith.constant 128 : i32
      %mul3A_198 = arith.muli %scan3A_108, %mul3A_197 : i32
      %add3A_199 = arith.constant 64 : i32
      %add3A_200 = arith.addi %mul3A_198, %add3A_199 : i32
      %add3A_201 = arith.addi %mul3A_2, %add3A_200 : i32
      %iota3A_202 = tpu.iota {dimensions = array<i32: 0>} : vector<16xi32>
      %add3A_203 = vector.broadcast %add3A_201 : i32 to vector<16xi32>
      %add3A_204 = arith.addi %add3A_203, %iota3A_202 : vector<16xi32>
      %rem3A_205 = arith.constant 200 : i32
      %rem3A_206 = vector.broadcast %rem3A_205 : i32 to vector<16xi32>
      %rem3A_207 = arith.remsi %add3A_204, %rem3A_206 : vector<16xi32>
      %mul3A_208 = arith.constant 256 : i32
      %mul3A_209 = vector.broadcast %mul3A_208 : i32 to vector<16xi32>
      %mul3A_210 = arith.muli %rem3A_207, %mul3A_209 : vector<16xi32>
      %get3A_211 = arith.index_cast %add3A_200 : i32 to index
      %get3A_212 = tpu.vector_load %arg5[%get3A_211] {strides = array<i32>} : memref<25600xi32, #tpu.memory_space<vmem>>, vector<16xi32>,
      %get3A_213 = vector.shape_cast %get3A_212 : vector<16xi32> to vector<16xi32>
      %add3A_214 = arith.addi %mul3A_210, %get3A_213 : vector<16xi32>
      %swap3A_215 = arith.index_cast %scan3A_108 : i32 to index
      %swap3A_216 = arith.constant 64 : index
      %swap3A_217 = tpu.vector_load %arg6[%swap3A_215, %swap3A_216] {strides = array<i32>} : memref<200x128xi32, #tpu.memory_space<vmem>>, vector<1x16xi32>,
      %swap3A_218 = vector.shape_cast %swap3A_217 : vector<1x16xi32> to vector<16xi32>
      %swap3A_219 = vector.shape_cast %add3A_214 : vector<16xi32> to vector<1x16xi32>
      tpu.vector_store %arg6[%swap3A_215, %swap3A_216], %swap3A_219 {strides = array<i32>} : memref<200x128xi32, #tpu.memory_space<vmem>>, vector<1x16xi32>,
      %mul3A_220 = arith.constant 128 : i32
      %mul3A_221 = arith.muli %scan3A_108, %mul3A_220 : i32
      %add3A_222 = arith.constant 80 : i32
      %add3A_223 = arith.addi %mul3A_221, %add3A_222 : i32
      %add3A_224 = arith.addi %mul3A_2, %add3A_223 : i32
      %iota3A_225 = tpu.iota {dimensions = array<i32: 0>} : vector<16xi32>
      %add3A_226 = vector.broadcast %add3A_224 : i32 to vector<16xi32>
      %add3A_227 = arith.addi %add3A_226, %iota3A_225 : vector<16xi32>
      %rem3A_228 = arith.constant 200 : i32
      %rem3A_229 = vector.broadcast %rem3A_228 : i32 to vector<16xi32>
      %rem3A_230 = arith.remsi %add3A_227, %rem3A_229 : vector<16xi32>
      %mul3A_231 = arith.constant 256 : i32
      %mul3A_232 = vector.broadcast %mul3A_231 : i32 to vector<16xi32>
      %mul3A_233 = arith.muli %rem3A_230, %mul3A_232 : vector<16xi32>
      %get3A_234 = arith.index_cast %add3A_223 : i32 to index
      %get3A_235 = tpu.vector_load %arg5[%get3A_234] {strides = array<i32>} : memref<25600xi32, #tpu.memory_space<vmem>>, vector<16xi32>,
      %get3A_236 = vector.shape_cast %get3A_235 : vector<16xi32> to vector<16xi32>
      %add3A_237 = arith.addi %mul3A_233, %get3A_236 : vector<16xi32>
      %swap3A_238 = arith.index_cast %scan3A_108 : i32 to index
      %swap3A_239 = arith.constant 80 : index
      %swap3A_240 = tpu.vector_load %arg6[%swap3A_238, %swap3A_239] {strides = array<i32>} : memref<200x128xi32, #tpu.memory_space<vmem>>, vector<1x16xi32>,
      %swap3A_241 = vector.shape_cast %swap3A_240 : vector<1x16xi32> to vector<16xi32>
      %swap3A_242 = vector.shape_cast %add3A_237 : vector<16xi32> to vector<1x16xi32>
      tpu.vector_store %arg6[%swap3A_238, %swap3A_239], %swap3A_242 {strides = array<i32>} : memref<200x128xi32, #tpu.memory_space<vmem>>, vector<1x16xi32>,
      %mul3A_243 = arith.constant 128 : i32
      %mul3A_244 = arith.muli %scan3A_108, %mul3A_243 : i32
      %add3A_245 = arith.constant 96 : i32
      %add3A_246 = arith.addi %mul3A_244, %add3A_245 : i32
      %add3A_247 = arith.addi %mul3A_2, %add3A_246 : i32
      %iota3A_248 = tpu.iota {dimensions = array<i32: 0>} : vector<16xi32>
      %add3A_249 = vector.broadcast %add3A_247 : i32 to vector<16xi32>
      %add3A_250 = arith.addi %add3A_249, %iota3A_248 : vector<16xi32>
      %rem3A_251 = arith.constant 200 : i32
      %rem3A_252 = vector.broadcast %rem3A_251 : i32 to vector<16xi32>
      %rem3A_253 = arith.remsi %add3A_250, %rem3A_252 : vector<16xi32>
      %mul3A_254 = arith.constant 256 : i32
      %mul3A_255 = vector.broadcast %mul3A_254 : i32 to vector<16xi32>
      %mul3A_256 = arith.muli %rem3A_253, %mul3A_255 : vector<16xi32>
      %get3A_257 = arith.index_cast %add3A_246 : i32 to index
      %get3A_258 = tpu.vector_load %arg5[%get3A_257] {strides = array<i32>} : memref<25600xi32, #tpu.memory_space<vmem>>, vector<16xi32>,
      %get3A_259 = vector.shape_cast %get3A_258 : vector<16xi32> to vector<16xi32>
      %add3A_260 = arith.addi %mul3A_256, %get3A_259 : vector<16xi32>
      %swap3A_261 = arith.index_cast %scan3A_108 : i32 to index
      %swap3A_262 = arith.constant 96 : index
      %swap3A_263 = tpu.vector_load %arg6[%swap3A_261, %swap3A_262] {strides = array<i32>} : memref<200x128xi32, #tpu.memory_space<vmem>>, vector<1x16xi32>,
      %swap3A_264 = vector.shape_cast %swap3A_263 : vector<1x16xi32> to vector<16xi32>
      %swap3A_265 = vector.shape_cast %add3A_260 : vector<16xi32> to vector<1x16xi32>
      tpu.vector_store %arg6[%swap3A_261, %swap3A_262], %swap3A_265 {strides = array<i32>} : memref<200x128xi32, #tpu.memory_space<vmem>>, vector<1x16xi32>,
      %mul3A_266 = arith.constant 128 : i32
      %mul3A_267 = arith.muli %scan3A_108, %mul3A_266 : i32
      %add3A_268 = arith.constant 112 : i32
      %add3A_269 = arith.addi %mul3A_267, %add3A_268 : i32
      %add3A_270 = arith.addi %mul3A_2, %add3A_269 : i32
      %iota3A_271 = tpu.iota {dimensions = array<i32: 0>} : vector<16xi32>
      %add3A_272 = vector.broadcast %add3A_270 : i32 to vector<16xi32>
      %add3A_273 = arith.addi %add3A_272, %iota3A_271 : vector<16xi32>
      %rem3A_274 = arith.constant 200 : i32
      %rem3A_275 = vector.broadcast %rem3A_274 : i32 to vector<16xi32>
      %rem3A_276 = arith.remsi %add3A_273, %rem3A_275 : vector<16xi32>
      %mul3A_277 = arith.constant 256 : i32
      %mul3A_278 = vector.broadcast %mul3A_277 : i32 to vector<16xi32>
      %mul3A_279 = arith.muli %rem3A_276, %mul3A_278 : vector<16xi32>
      %get3A_280 = arith.index_cast %add3A_269 : i32 to index
      %get3A_281 = tpu.vector_load %arg5[%get3A_280] {strides = array<i32>} : memref<25600xi32, #tpu.memory_space<vmem>>, vector<16xi32>,
      %get3A_282 = vector.shape_cast %get3A_281 : vector<16xi32> to vector<16xi32>
      %add3A_283 = arith.addi %mul3A_279, %get3A_282 : vector<16xi32>
      %swap3A_284 = arith.index_cast %scan3A_108 : i32 to index
      %swap3A_285 = arith.constant 112 : index
      %swap3A_286 = tpu.vector_load %arg6[%swap3A_284, %swap3A_285] {strides = array<i32>} : memref<200x128xi32, #tpu.memory_space<vmem>>, vector<1x16xi32>,
      %swap3A_287 = vector.shape_cast %swap3A_286 : vector<1x16xi32> to vector<16xi32>
      %swap3A_288 = vector.shape_cast %add3A_283 : vector<16xi32> to vector<1x16xi32>
      tpu.vector_store %arg6[%swap3A_284, %swap3A_285], %swap3A_288 {strides = array<i32>} : memref<200x128xi32, #tpu.memory_space<vmem>>, vector<1x16xi32>,
    }
    %scan3A_7 = arith.constant 200 : i32
    %dma_start3A = arith.constant 0 : i32
    %dma_start3A_8 = arith.constant 0 : i32
    %dma_start3A_9 = tpu.memref_slice %arg6[%dma_start3A, %dma_start3A_8] : memref<200x128xi32, #tpu.memory_space<vmem>> -> memref<1x128xi32, #tpu.memory_space<vmem>>
    %dma_start3A_10 = tpu.memref_squeeze %dma_start3A_9 : memref<1x128xi32, #tpu.memory_space<vmem>> -> memref<128xi32, #tpu.memory_space<vmem>>
    %dma_start3A_11 = arith.constant 0 : i32
    %dma_start3A_12 = arith.constant 0 : i32
    %dma_start3A_13 = tpu.memref_slice %arg2[%dma_start3A_11, %dma_start3A_12] : memref<51200x128xf32, #tpu.memory_space<hbm>> -> memref<51200x128xf32, #tpu.memory_space<hbm>>
    tpu.enqueue_indirect_dma source(%dma_start3A_13 : memref<51200x128xf32, #tpu.memory_space<hbm>>) target(%arg7 : memref<128x128xf32, #tpu.memory_space<vmem>>) offsets(%dma_start3A_10 : memref<128xi32, #tpu.memory_space<vmem>>) semaphore(%arg11 : memref<!tpu.dma_semaphore, #tpu.memory_space<semaphore_mem>>)
    %dma_start3A_14 = arith.constant 1 : i32
    %dma_start3A_15 = arith.constant 0 : i32
    %dma_start3A_16 = tpu.memref_slice %arg6[%dma_start3A_14, %dma_start3A_15] : memref<200x128xi32, #tpu.memory_space<vmem>> -> memref<1x128xi32, #tpu.memory_space<vmem>>
    %dma_start3A_17 = tpu.memref_squeeze %dma_start3A_16 : memref<1x128xi32, #tpu.memory_space<vmem>> -> memref<128xi32, #tpu.memory_space<vmem>>
    %dma_start3A_18 = arith.constant 0 : i32
    %dma_start3A_19 = arith.constant 0 : i32
    %dma_start3A_20 = tpu.memref_slice %arg2[%dma_start3A_18, %dma_start3A_19] : memref<51200x128xf32, #tpu.memory_space<hbm>> -> memref<51200x128xf32, #tpu.memory_space<hbm>>
    tpu.enqueue_indirect_dma source(%dma_start3A_20 : memref<51200x128xf32, #tpu.memory_space<hbm>>) target(%arg8 : memref<128x128xf32, #tpu.memory_space<vmem>>) offsets(%dma_start3A_17 : memref<128xi32, #tpu.memory_space<vmem>>) semaphore(%arg12 : memref<!tpu.dma_semaphore, #tpu.memory_space<semaphore_mem>>)
    %dma_wait3A = arith.constant 0 : i32
    %dma_wait3A_21 = arith.constant 0 : i32
    %dma_wait3A_22 = tpu.memref_slice %arg6[%dma_wait3A, %dma_wait3A_21] : memref<200x128xi32, #tpu.memory_space<vmem>> -> memref<1x128xi32, #tpu.memory_space<vmem>>
    %dma_wait3A_23 = tpu.memref_squeeze %dma_wait3A_22 : memref<1x128xi32, #tpu.memory_space<vmem>> -> memref<128xi32, #tpu.memory_space<vmem>>
    %dma_wait3A_24 = arith.constant 0 : i32
    %dma_wait3A_25 = arith.constant 0 : i32
    %dma_wait3A_26 = tpu.memref_slice %arg2[%dma_wait3A_24, %dma_wait3A_25] : memref<51200x128xf32, #tpu.memory_space<hbm>> -> memref<51200x128xf32, #tpu.memory_space<hbm>>
    tpu.wait_indirect_dma semaphore(%arg11 : memref<!tpu.dma_semaphore, #tpu.memory_space<semaphore_mem>>) src(%dma_wait3A_26 : memref<51200x128xf32, #tpu.memory_space<hbm>>) dst(%arg7 : memref<128x128xf32, #tpu.memory_space<vmem>>)
    %add3A_27 = arith.constant 0 : i32
    %add3A_28 = arith.addi %mul3A_2, %add3A_27 : i32
    %dma_start3A_29 = arith.constant 0 : i32
    %dma_start3A_30 = tpu.memref_slice %arg4[%add3A_28, %dma_start3A_29] : memref<819200x128xf32, #tpu.memory_space<hbm>> -> memref<128x128xf32, #tpu.memory_space<hbm>>
    %dma_start3A_31 = arith.constant 0 : i32
    %dma_start3A_32 = tpu.memref_slice %arg4[%add3A_28, %dma_start3A_31] : memref<819200x128xf32, #tpu.memory_space<hbm>> -> memref<128x128xf32, #tpu.memory_space<hbm>>
    tpu.enqueue_dma source(%arg7 : memref<128x128xf32, #tpu.memory_space<vmem>>) target(%dma_start3A_32 : memref<128x128xf32, #tpu.memory_space<hbm>>) target_semaphore(%arg15 : memref<!tpu.dma_semaphore, #tpu.memory_space<semaphore_mem>>)
    %dma_start3A_33 = arith.constant 2 : i32
    %dma_start3A_34 = arith.constant 0 : i32
    %dma_start3A_35 = tpu.memref_slice %arg6[%dma_start3A_33, %dma_start3A_34] : memref<200x128xi32, #tpu.memory_space<vmem>> -> memref<1x128xi32, #tpu.memory_space<vmem>>
    %dma_start3A_36 = tpu.memref_squeeze %dma_start3A_35 : memref<1x128xi32, #tpu.memory_space<vmem>> -> memref<128xi32, #tpu.memory_space<vmem>>
    %dma_start3A_37 = arith.constant 0 : i32
    %dma_start3A_38 = arith.constant 0 : i32
    %dma_start3A_39 = tpu.memref_slice %arg2[%dma_start3A_37, %dma_start3A_38] : memref<51200x128xf32, #tpu.memory_space<hbm>> -> memref<51200x128xf32, #tpu.memory_space<hbm>>
    tpu.enqueue_indirect_dma source(%dma_start3A_39 : memref<51200x128xf32, #tpu.memory_space<hbm>>) target(%arg9 : memref<128x128xf32, #tpu.memory_space<vmem>>) offsets(%dma_start3A_36 : memref<128xi32, #tpu.memory_space<vmem>>) semaphore(%arg13 : memref<!tpu.dma_semaphore, #tpu.memory_space<semaphore_mem>>)
    %dma_wait3A_40 = arith.constant 0 : i32
    %dma_wait3A_41 = arith.constant 0 : i32
    %dma_wait3A_42 = tpu.memref_slice %arg6[%dma_wait3A_40, %dma_wait3A_41] : memref<200x128xi32, #tpu.memory_space<vmem>> -> memref<1x128xi32, #tpu.memory_space<vmem>>
    %dma_wait3A_43 = tpu.memref_squeeze %dma_wait3A_42 : memref<1x128xi32, #tpu.memory_space<vmem>> -> memref<128xi32, #tpu.memory_space<vmem>>
    %dma_wait3A_44 = arith.constant 0 : i32
    %dma_wait3A_45 = arith.constant 0 : i32
    %dma_wait3A_46 = tpu.memref_slice %arg2[%dma_wait3A_44, %dma_wait3A_45] : memref<51200x128xf32, #tpu.memory_space<hbm>> -> memref<51200x128xf32, #tpu.memory_space<hbm>>
    tpu.wait_indirect_dma semaphore(%arg12 : memref<!tpu.dma_semaphore, #tpu.memory_space<semaphore_mem>>) src(%dma_wait3A_46 : memref<51200x128xf32, #tpu.memory_space<hbm>>) dst(%arg8 : memref<128x128xf32, #tpu.memory_space<vmem>>)
    %add3A_47 = arith.constant 128 : i32
    %add3A_48 = arith.addi %mul3A_2, %add3A_47 : i32
    %dma_start3A_49 = arith.constant 0 : i32
    %dma_start3A_50 = tpu.memref_slice %arg4[%add3A_48, %dma_start3A_49] : memref<819200x128xf32, #tpu.memory_space<hbm>> -> memref<128x128xf32, #tpu.memory_space<hbm>>
    %dma_start3A_51 = arith.constant 0 : i32
    %dma_start3A_52 = tpu.memref_slice %arg4[%add3A_48, %dma_start3A_51] : memref<819200x128xf32, #tpu.memory_space<hbm>> -> memref<128x128xf32, #tpu.memory_space<hbm>>
    tpu.enqueue_dma source(%arg8 : memref<128x128xf32, #tpu.memory_space<vmem>>) target(%dma_start3A_52 : memref<128x128xf32, #tpu.memory_space<hbm>>) target_semaphore(%arg16 : memref<!tpu.dma_semaphore, #tpu.memory_space<semaphore_mem>>)
    %dma_start3A_53 = arith.constant 3 : i32
    %dma_start3A_54 = arith.constant 0 : i32
    %dma_start3A_55 = tpu.memref_slice %arg6[%dma_start3A_53, %dma_start3A_54] : memref<200x128xi32, #tpu.memory_space<vmem>> -> memref<1x128xi32, #tpu.memory_space<vmem>>
    %dma_start3A_56 = tpu.memref_squeeze %dma_start3A_55 : memref<1x128xi32, #tpu.memory_space<vmem>> -> memref<128xi32, #tpu.memory_space<vmem>>
    %dma_start3A_57 = arith.constant 0 : i32
    %dma_start3A_58 = arith.constant 0 : i32
    %dma_start3A_59 = tpu.memref_slice %arg2[%dma_start3A_57, %dma_start3A_58] : memref<51200x128xf32, #tpu.memory_space<hbm>> -> memref<51200x128xf32, #tpu.memory_space<hbm>>
    tpu.enqueue_indirect_dma source(%dma_start3A_59 : memref<51200x128xf32, #tpu.memory_space<hbm>>) target(%arg10 : memref<128x128xf32, #tpu.memory_space<vmem>>) offsets(%dma_start3A_56 : memref<128xi32, #tpu.memory_space<vmem>>) semaphore(%arg14 : memref<!tpu.dma_semaphore, #tpu.memory_space<semaphore_mem>>)
    %scan3A_60 = arith.constant 0 : i32
    %scan3A_61 = arith.constant 0 : i32
    %scan3A_62 = arith.constant 49 : i32
    %scan3A_63 = arith.addi %scan3A_61, %scan3A_62 : i32
    %scan3A_64 = arith.constant 1 : i32
    scf.for %scan3A_108 = %scan3A_61 to %scan3A_63 step %scan3A_64  : i32 {
      %mul3A_109 = arith.constant 4 : i32
      %mul3A_110 = arith.muli %mul3A_109, %scan3A_108 : i32
      %add3A_111 = arith.constant 2 : i32
      %add3A_112 = arith.addi %mul3A_110, %add3A_111 : i32
      %add3A_113 = arith.constant 0 : i32
      %add3A_114 = arith.addi %add3A_112, %add3A_113 : i32
      %dma_wait3A_115 = arith.constant 0 : i32
      %dma_wait3A_116 = arith.constant 0 : i32
      %dma_wait3A_117 = tpu.memref_slice %arg6[%dma_wait3A_115, %dma_wait3A_116] : memref<200x128xi32, #tpu.memory_space<vmem>> -> memref<1x128xi32, #tpu.memory_space<vmem>>
      %dma_wait3A_118 = tpu.memref_squeeze %dma_wait3A_117 : memref<1x128xi32, #tpu.memory_space<vmem>> -> memref<128xi32, #tpu.memory_space<vmem>>
      %dma_wait3A_119 = arith.constant 0 : i32
      %dma_wait3A_120 = arith.constant 0 : i32
      %dma_wait3A_121 = tpu.memref_slice %arg2[%dma_wait3A_119, %dma_wait3A_120] : memref<51200x128xf32, #tpu.memory_space<hbm>> -> memref<51200x128xf32, #tpu.memory_space<hbm>>
      tpu.wait_indirect_dma semaphore(%arg13 : memref<!tpu.dma_semaphore, #tpu.memory_space<semaphore_mem>>) src(%dma_wait3A_121 : memref<51200x128xf32, #tpu.memory_space<hbm>>) dst(%arg9 : memref<128x128xf32, #tpu.memory_space<vmem>>)
      %mul3A_122 = arith.constant 128 : i32
      %mul3A_123 = arith.muli %add3A_114, %mul3A_122 : i32
      %add3A_124 = arith.addi %mul3A_2, %mul3A_123 : i32
      %dma_start3A_125 = arith.constant 0 : i32
      %dma_start3A_126 = tpu.memref_slice %arg4[%add3A_124, %dma_start3A_125] : memref<819200x128xf32, #tpu.memory_space<hbm>> -> memref<128x128xf32, #tpu.memory_space<hbm>>
      %dma_start3A_127 = arith.constant 0 : i32
      %dma_start3A_128 = tpu.memref_slice %arg4[%add3A_124, %dma_start3A_127] : memref<819200x128xf32, #tpu.memory_space<hbm>> -> memref<128x128xf32, #tpu.memory_space<hbm>>
      tpu.enqueue_dma source(%arg9 : memref<128x128xf32, #tpu.memory_space<vmem>>) target(%dma_start3A_128 : memref<128x128xf32, #tpu.memory_space<hbm>>) target_semaphore(%arg17 : memref<!tpu.dma_semaphore, #tpu.memory_space<semaphore_mem>>)
      %dma_wait3A_129 = arith.constant 0 : i32
      %dma_wait3A_130 = tpu.memref_slice %arg4[%mul3A_2, %dma_wait3A_129] : memref<819200x128xf32, #tpu.memory_space<hbm>> -> memref<128x128xf32, #tpu.memory_space<hbm>>
      %dma_wait3A_131 = arith.constant 0 : i32
      %dma_wait3A_132 = tpu.memref_slice %arg4[%mul3A_2, %dma_wait3A_131] : memref<819200x128xf32, #tpu.memory_space<hbm>> -> memref<128x128xf32, #tpu.memory_space<hbm>>
      tpu.wait_dma2 semaphore(%arg15 : memref<!tpu.dma_semaphore, #tpu.memory_space<semaphore_mem>>) src(%arg7 : memref<128x128xf32, #tpu.memory_space<vmem>>) dst(%dma_wait3A_132 : memref<128x128xf32, #tpu.memory_space<hbm>>)
      %add3A_133 = arith.constant 2 : i32
      %add3A_134 = arith.addi %add3A_114, %add3A_133 : i32
      %dma_start3A_135 = arith.constant 0 : i32
      %dma_start3A_136 = tpu.memref_slice %arg6[%add3A_134, %dma_start3A_135] : memref<200x128xi32, #tpu.memory_space<vmem>> -> memref<1x128xi32, #tpu.memory_space<vmem>>
      %dma_start3A_137 = tpu.memref_squeeze %dma_start3A_136 : memref<1x128xi32, #tpu.memory_space<vmem>> -> memref<128xi32, #tpu.memory_space<vmem>>
      %dma_start3A_138 = arith.constant 0 : i32
      %dma_start3A_139 = arith.constant 0 : i32
      %dma_start3A_140 = tpu.memref_slice %arg2[%dma_start3A_138, %dma_start3A_139] : memref<51200x128xf32, #tpu.memory_space<hbm>> -> memref<51200x128xf32, #tpu.memory_space<hbm>>
      tpu.enqueue_indirect_dma source(%dma_start3A_140 : memref<51200x128xf32, #tpu.memory_space<hbm>>) target(%arg7 : memref<128x128xf32, #tpu.memory_space<vmem>>) offsets(%dma_start3A_137 : memref<128xi32, #tpu.memory_space<vmem>>) semaphore(%arg11 : memref<!tpu.dma_semaphore, #tpu.memory_space<semaphore_mem>>)
      %mul3A_141 = arith.constant 4 : i32
      %mul3A_142 = arith.muli %mul3A_141, %scan3A_108 : i32
      %add3A_143 = arith.constant 2 : i32
      %add3A_144 = arith.addi %mul3A_142, %add3A_143 : i32
      %add3A_145 = arith.constant 1 : i32
      %add3A_146 = arith.addi %add3A_144, %add3A_145 : i32
      %dma_wait3A_147 = arith.constant 0 : i32
      %dma_wait3A_148 = arith.constant 0 : i32
      %dma_wait3A_149 = tpu.memref_slice %arg6[%dma_wait3A_147, %dma_wait3A_148] : memref<200x128xi32, #tpu.memory_space<vmem>> -> memref<1x128xi32, #tpu.memory_space<vmem>>
      %dma_wait3A_150 = tpu.memref_squeeze %dma_wait3A_149 : memref<1x128xi32, #tpu.memory_space<vmem>> -> memref<128xi32, #tpu.memory_space<vmem>>
      %dma_wait3A_151 = arith.constant 0 : i32
      %dma_wait3A_152 = arith.constant 0 : i32
      %dma_wait3A_153 = tpu.memref_slice %arg2[%dma_wait3A_151, %dma_wait3A_152] : memref<51200x128xf32, #tpu.memory_space<hbm>> -> memref<51200x128xf32, #tpu.memory_space<hbm>>
      tpu.wait_indirect_dma semaphore(%arg14 : memref<!tpu.dma_semaphore, #tpu.memory_space<semaphore_mem>>) src(%dma_wait3A_153 : memref<51200x128xf32, #tpu.memory_space<hbm>>) dst(%arg10 : memref<128x128xf32, #tpu.memory_space<vmem>>)
      %mul3A_154 = arith.constant 128 : i32
      %mul3A_155 = arith.muli %add3A_146, %mul3A_154 : i32
      %add3A_156 = arith.addi %mul3A_2, %mul3A_155 : i32
      %dma_start3A_157 = arith.constant 0 : i32
      %dma_start3A_158 = tpu.memref_slice %arg4[%add3A_156, %dma_start3A_157] : memref<819200x128xf32, #tpu.memory_space<hbm>> -> memref<128x128xf32, #tpu.memory_space<hbm>>
      %dma_start3A_159 = arith.constant 0 : i32
      %dma_start3A_160 = tpu.memref_slice %arg4[%add3A_156, %dma_start3A_159] : memref<819200x128xf32, #tpu.memory_space<hbm>> -> memref<128x128xf32, #tpu.memory_space<hbm>>
      tpu.enqueue_dma source(%arg10 : memref<128x128xf32, #tpu.memory_space<vmem>>) target(%dma_start3A_160 : memref<128x128xf32, #tpu.memory_space<hbm>>) target_semaphore(%arg18 : memref<!tpu.dma_semaphore, #tpu.memory_space<semaphore_mem>>)
      %dma_wait3A_161 = arith.constant 0 : i32
      %dma_wait3A_162 = tpu.memref_slice %arg4[%mul3A_2, %dma_wait3A_161] : memref<819200x128xf32, #tpu.memory_space<hbm>> -> memref<128x128xf32, #tpu.memory_space<hbm>>
      %dma_wait3A_163 = arith.constant 0 : i32
      %dma_wait3A_164 = tpu.memref_slice %arg4[%mul3A_2, %dma_wait3A_163] : memref<819200x128xf32, #tpu.memory_space<hbm>> -> memref<128x128xf32, #tpu.memory_space<hbm>>
      tpu.wait_dma2 semaphore(%arg16 : memref<!tpu.dma_semaphore, #tpu.memory_space<semaphore_mem>>) src(%arg8 : memref<128x128xf32, #tpu.memory_space<vmem>>) dst(%dma_wait3A_164 : memref<128x128xf32, #tpu.memory_space<hbm>>)
      %add3A_165 = arith.constant 2 : i32
      %add3A_166 = arith.addi %add3A_146, %add3A_165 : i32
      %dma_start3A_167 = arith.constant 0 : i32
      %dma_start3A_168 = tpu.memref_slice %arg6[%add3A_166, %dma_start3A_167] : memref<200x128xi32, #tpu.memory_space<vmem>> -> memref<1x128xi32, #tpu.memory_space<vmem>>
      %dma_start3A_169 = tpu.memref_squeeze %dma_start3A_168 : memref<1x128xi32, #tpu.memory_space<vmem>> -> memref<128xi32, #tpu.memory_space<vmem>>
      %dma_start3A_170 = arith.constant 0 : i32
      %dma_start3A_171 = arith.constant 0 : i32
      %dma_start3A_172 = tpu.memref_slice %arg2[%dma_start3A_170, %dma_start3A_171] : memref<51200x128xf32, #tpu.memory_space<hbm>> -> memref<51200x128xf32, #tpu.memory_space<hbm>>
      tpu.enqueue_indirect_dma source(%dma_start3A_172 : memref<51200x128xf32, #tpu.memory_space<hbm>>) target(%arg8 : memref<128x128xf32, #tpu.memory_space<vmem>>) offsets(%dma_start3A_169 : memref<128xi32, #tpu.memory_space<vmem>>) semaphore(%arg12 : memref<!tpu.dma_semaphore, #tpu.memory_space<semaphore_mem>>)
      %mul3A_173 = arith.constant 4 : i32
      %mul3A_174 = arith.muli %mul3A_173, %scan3A_108 : i32
      %add3A_175 = arith.constant 2 : i32
      %add3A_176 = arith.addi %mul3A_174, %add3A_175 : i32
      %add3A_177 = arith.constant 2 : i32
      %add3A_178 = arith.addi %add3A_176, %add3A_177 : i32
      %dma_wait3A_179 = arith.constant 0 : i32
      %dma_wait3A_180 = arith.constant 0 : i32
      %dma_wait3A_181 = tpu.memref_slice %arg6[%dma_wait3A_179, %dma_wait3A_180] : memref<200x128xi32, #tpu.memory_space<vmem>> -> memref<1x128xi32, #tpu.memory_space<vmem>>
      %dma_wait3A_182 = tpu.memref_squeeze %dma_wait3A_181 : memref<1x128xi32, #tpu.memory_space<vmem>> -> memref<128xi32, #tpu.memory_space<vmem>>
      %dma_wait3A_183 = arith.constant 0 : i32
      %dma_wait3A_184 = arith.constant 0 : i32
      %dma_wait3A_185 = tpu.memref_slice %arg2[%dma_wait3A_183, %dma_wait3A_184] : memref<51200x128xf32, #tpu.memory_space<hbm>> -> memref<51200x128xf32, #tpu.memory_space<hbm>>
      tpu.wait_indirect_dma semaphore(%arg11 : memref<!tpu.dma_semaphore, #tpu.memory_space<semaphore_mem>>) src(%dma_wait3A_185 : memref<51200x128xf32, #tpu.memory_space<hbm>>) dst(%arg7 : memref<128x128xf32, #tpu.memory_space<vmem>>)
      %mul3A_186 = arith.constant 128 : i32
      %mul3A_187 = arith.muli %add3A_178, %mul3A_186 : i32
      %add3A_188 = arith.addi %mul3A_2, %mul3A_187 : i32
      %dma_start3A_189 = arith.constant 0 : i32
      %dma_start3A_190 = tpu.memref_slice %arg4[%add3A_188, %dma_start3A_189] : memref<819200x128xf32, #tpu.memory_space<hbm>> -> memref<128x128xf32, #tpu.memory_space<hbm>>
      %dma_start3A_191 = arith.constant 0 : i32
      %dma_start3A_192 = tpu.memref_slice %arg4[%add3A_188, %dma_start3A_191] : memref<819200x128xf32, #tpu.memory_space<hbm>> -> memref<128x128xf32, #tpu.memory_space<hbm>>
      tpu.enqueue_dma source(%arg7 : memref<128x128xf32, #tpu.memory_space<vmem>>) target(%dma_start3A_192 : memref<128x128xf32, #tpu.memory_space<hbm>>) target_semaphore(%arg15 : memref<!tpu.dma_semaphore, #tpu.memory_space<semaphore_mem>>)
      %dma_wait3A_193 = arith.constant 0 : i32
      %dma_wait3A_194 = tpu.memref_slice %arg4[%mul3A_2, %dma_wait3A_193] : memref<819200x128xf32, #tpu.memory_space<hbm>> -> memref<128x128xf32, #tpu.memory_space<hbm>>
      %dma_wait3A_195 = arith.constant 0 : i32
      %dma_wait3A_196 = tpu.memref_slice %arg4[%mul3A_2, %dma_wait3A_195] : memref<819200x128xf32, #tpu.memory_space<hbm>> -> memref<128x128xf32, #tpu.memory_space<hbm>>
      tpu.wait_dma2 semaphore(%arg17 : memref<!tpu.dma_semaphore, #tpu.memory_space<semaphore_mem>>) src(%arg9 : memref<128x128xf32, #tpu.memory_space<vmem>>) dst(%dma_wait3A_196 : memref<128x128xf32, #tpu.memory_space<hbm>>)
      %add3A_197 = arith.constant 2 : i32
      %add3A_198 = arith.addi %add3A_178, %add3A_197 : i32
      %dma_start3A_199 = arith.constant 0 : i32
      %dma_start3A_200 = tpu.memref_slice %arg6[%add3A_198, %dma_start3A_199] : memref<200x128xi32, #tpu.memory_space<vmem>> -> memref<1x128xi32, #tpu.memory_space<vmem>>
      %dma_start3A_201 = tpu.memref_squeeze %dma_start3A_200 : memref<1x128xi32, #tpu.memory_space<vmem>> -> memref<128xi32, #tpu.memory_space<vmem>>
      %dma_start3A_202 = arith.constant 0 : i32
      %dma_start3A_203 = arith.constant 0 : i32
      %dma_start3A_204 = tpu.memref_slice %arg2[%dma_start3A_202, %dma_start3A_203] : memref<51200x128xf32, #tpu.memory_space<hbm>> -> memref<51200x128xf32, #tpu.memory_space<hbm>>
      tpu.enqueue_indirect_dma source(%dma_start3A_204 : memref<51200x128xf32, #tpu.memory_space<hbm>>) target(%arg9 : memref<128x128xf32, #tpu.memory_space<vmem>>) offsets(%dma_start3A_201 : memref<128xi32, #tpu.memory_space<vmem>>) semaphore(%arg13 : memref<!tpu.dma_semaphore, #tpu.memory_space<semaphore_mem>>)
      %mul3A_205 = arith.constant 4 : i32
      %mul3A_206 = arith.muli %mul3A_205, %scan3A_108 : i32
      %add3A_207 = arith.constant 2 : i32
      %add3A_208 = arith.addi %mul3A_206, %add3A_207 : i32
      %add3A_209 = arith.constant 3 : i32
      %add3A_210 = arith.addi %add3A_208, %add3A_209 : i32
      %dma_wait3A_211 = arith.constant 0 : i32
      %dma_wait3A_212 = arith.constant 0 : i32
      %dma_wait3A_213 = tpu.memref_slice %arg6[%dma_wait3A_211, %dma_wait3A_212] : memref<200x128xi32, #tpu.memory_space<vmem>> -> memref<1x128xi32, #tpu.memory_space<vmem>>
      %dma_wait3A_214 = tpu.memref_squeeze %dma_wait3A_213 : memref<1x128xi32, #tpu.memory_space<vmem>> -> memref<128xi32, #tpu.memory_space<vmem>>
      %dma_wait3A_215 = arith.constant 0 : i32
      %dma_wait3A_216 = arith.constant 0 : i32
      %dma_wait3A_217 = tpu.memref_slice %arg2[%dma_wait3A_215, %dma_wait3A_216] : memref<51200x128xf32, #tpu.memory_space<hbm>> -> memref<51200x128xf32, #tpu.memory_space<hbm>>
      tpu.wait_indirect_dma semaphore(%arg12 : memref<!tpu.dma_semaphore, #tpu.memory_space<semaphore_mem>>) src(%dma_wait3A_217 : memref<51200x128xf32, #tpu.memory_space<hbm>>) dst(%arg8 : memref<128x128xf32, #tpu.memory_space<vmem>>)
      %mul3A_218 = arith.constant 128 : i32
      %mul3A_219 = arith.muli %add3A_210, %mul3A_218 : i32
      %add3A_220 = arith.addi %mul3A_2, %mul3A_219 : i32
      %dma_start3A_221 = arith.constant 0 : i32
      %dma_start3A_222 = tpu.memref_slice %arg4[%add3A_220, %dma_start3A_221] : memref<819200x128xf32, #tpu.memory_space<hbm>> -> memref<128x128xf32, #tpu.memory_space<hbm>>
      %dma_start3A_223 = arith.constant 0 : i32
      %dma_start3A_224 = tpu.memref_slice %arg4[%add3A_220, %dma_start3A_223] : memref<819200x128xf32, #tpu.memory_space<hbm>> -> memref<128x128xf32, #tpu.memory_space<hbm>>
      tpu.enqueue_dma source(%arg8 : memref<128x128xf32, #tpu.memory_space<vmem>>) target(%dma_start3A_224 : memref<128x128xf32, #tpu.memory_space<hbm>>) target_semaphore(%arg16 : memref<!tpu.dma_semaphore, #tpu.memory_space<semaphore_mem>>)
      %dma_wait3A_225 = arith.constant 0 : i32
      %dma_wait3A_226 = tpu.memref_slice %arg4[%mul3A_2, %dma_wait3A_225] : memref<819200x128xf32, #tpu.memory_space<hbm>> -> memref<128x128xf32, #tpu.memory_space<hbm>>
      %dma_wait3A_227 = arith.constant 0 : i32
      %dma_wait3A_228 = tpu.memref_slice %arg4[%mul3A_2, %dma_wait3A_227] : memref<819200x128xf32, #tpu.memory_space<hbm>> -> memref<128x128xf32, #tpu.memory_space<hbm>>
      tpu.wait_dma2 semaphore(%arg18 : memref<!tpu.dma_semaphore, #tpu.memory_space<semaphore_mem>>) src(%arg10 : memref<128x128xf32, #tpu.memory_space<vmem>>) dst(%dma_wait3A_228 : memref<128x128xf32, #tpu.memory_space<hbm>>)
      %add3A_229 = arith.constant 2 : i32
      %add3A_230 = arith.addi %add3A_210, %add3A_229 : i32
      %dma_start3A_231 = arith.constant 0 : i32
      %dma_start3A_232 = tpu.memref_slice %arg6[%add3A_230, %dma_start3A_231] : memref<200x128xi32, #tpu.memory_space<vmem>> -> memref<1x128xi32, #tpu.memory_space<vmem>>
      %dma_start3A_233 = tpu.memref_squeeze %dma_start3A_232 : memref<1x128xi32, #tpu.memory_space<vmem>> -> memref<128xi32, #tpu.memory_space<vmem>>
      %dma_start3A_234 = arith.constant 0 : i32
      %dma_start3A_235 = arith.constant 0 : i32
      %dma_start3A_236 = tpu.memref_slice %arg2[%dma_start3A_234, %dma_start3A_235] : memref<51200x128xf32, #tpu.memory_space<hbm>> -> memref<51200x128xf32, #tpu.memory_space<hbm>>
      tpu.enqueue_indirect_dma source(%dma_start3A_236 : memref<51200x128xf32, #tpu.memory_space<hbm>>) target(%arg10 : memref<128x128xf32, #tpu.memory_space<vmem>>) offsets(%dma_start3A_233 : memref<128xi32, #tpu.memory_space<vmem>>) semaphore(%arg14 : memref<!tpu.dma_semaphore, #tpu.memory_space<semaphore_mem>>)
    }
    %scan3A_65 = arith.constant 49 : i32
    %dma_wait3A_66 = arith.constant 0 : i32
    %dma_wait3A_67 = arith.constant 0 : i32
    %dma_wait3A_68 = tpu.memref_slice %arg6[%dma_wait3A_66, %dma_wait3A_67] : memref<200x128xi32, #tpu.memory_space<vmem>> -> memref<1x128xi32, #tpu.memory_space<vmem>>
    %dma_wait3A_69 = tpu.memref_squeeze %dma_wait3A_68 : memref<1x128xi32, #tpu.memory_space<vmem>> -> memref<128xi32, #tpu.memory_space<vmem>>
    %dma_wait3A_70 = arith.constant 0 : i32
    %dma_wait3A_71 = arith.constant 0 : i32
    %dma_wait3A_72 = tpu.memref_slice %arg2[%dma_wait3A_70, %dma_wait3A_71] : memref<51200x128xf32, #tpu.memory_space<hbm>> -> memref<51200x128xf32, #tpu.memory_space<hbm>>
    tpu.wait_indirect_dma semaphore(%arg13 : memref<!tpu.dma_semaphore, #tpu.memory_space<semaphore_mem>>) src(%dma_wait3A_72 : memref<51200x128xf32, #tpu.memory_space<hbm>>) dst(%arg9 : memref<128x128xf32, #tpu.memory_space<vmem>>)
    %add3A_73 = arith.constant 25344 : i32
    %add3A_74 = arith.addi %mul3A_2, %add3A_73 : i32
    %dma_start3A_75 = arith.constant 0 : i32
    %dma_start3A_76 = tpu.memref_slice %arg4[%add3A_74, %dma_start3A_75] : memref<819200x128xf32, #tpu.memory_space<hbm>> -> memref<128x128xf32, #tpu.memory_space<hbm>>
    %dma_start3A_77 = arith.constant 0 : i32
    %dma_start3A_78 = tpu.memref_slice %arg4[%add3A_74, %dma_start3A_77] : memref<819200x128xf32, #tpu.memory_space<hbm>> -> memref<128x128xf32, #tpu.memory_space<hbm>>
    tpu.enqueue_dma source(%arg9 : memref<128x128xf32, #tpu.memory_space<vmem>>) target(%dma_start3A_78 : memref<128x128xf32, #tpu.memory_space<hbm>>) target_semaphore(%arg17 : memref<!tpu.dma_semaphore, #tpu.memory_space<semaphore_mem>>)
    %dma_wait3A_79 = arith.constant 0 : i32
    %dma_wait3A_80 = arith.constant 0 : i32
    %dma_wait3A_81 = tpu.memref_slice %arg6[%dma_wait3A_79, %dma_wait3A_80] : memref<200x128xi32, #tpu.memory_space<vmem>> -> memref<1x128xi32, #tpu.memory_space<vmem>>
    %dma_wait3A_82 = tpu.memref_squeeze %dma_wait3A_81 : memref<1x128xi32, #tpu.memory_space<vmem>> -> memref<128xi32, #tpu.memory_space<vmem>>
    %dma_wait3A_83 = arith.constant 0 : i32
    %dma_wait3A_84 = arith.constant 0 : i32
    %dma_wait3A_85 = tpu.memref_slice %arg2[%dma_wait3A_83, %dma_wait3A_84] : memref<51200x128xf32, #tpu.memory_space<hbm>> -> memref<51200x128xf32, #tpu.memory_space<hbm>>
    tpu.wait_indirect_dma semaphore(%arg14 : memref<!tpu.dma_semaphore, #tpu.memory_space<semaphore_mem>>) src(%dma_wait3A_85 : memref<51200x128xf32, #tpu.memory_space<hbm>>) dst(%arg10 : memref<128x128xf32, #tpu.memory_space<vmem>>)
    %add3A_86 = arith.constant 25472 : i32
    %add3A_87 = arith.addi %mul3A_2, %add3A_86 : i32
    %dma_start3A_88 = arith.constant 0 : i32
    %dma_start3A_89 = tpu.memref_slice %arg4[%add3A_87, %dma_start3A_88] : memref<819200x128xf32, #tpu.memory_space<hbm>> -> memref<128x128xf32, #tpu.memory_space<hbm>>
    %dma_start3A_90 = arith.constant 0 : i32
    %dma_start3A_91 = tpu.memref_slice %arg4[%add3A_87, %dma_start3A_90] : memref<819200x128xf32, #tpu.memory_space<hbm>> -> memref<128x128xf32, #tpu.memory_space<hbm>>
    tpu.enqueue_dma source(%arg10 : memref<128x128xf32, #tpu.memory_space<vmem>>) target(%dma_start3A_91 : memref<128x128xf32, #tpu.memory_space<hbm>>) target_semaphore(%arg18 : memref<!tpu.dma_semaphore, #tpu.memory_space<semaphore_mem>>)
    %dma_wait3A_92 = arith.constant 0 : i32
    %dma_wait3A_93 = tpu.memref_slice %arg4[%mul3A_2, %dma_wait3A_92] : memref<819200x128xf32, #tpu.memory_space<hbm>> -> memref<128x128xf32, #tpu.memory_space<hbm>>
    %dma_wait3A_94 = arith.constant 0 : i32
    %dma_wait3A_95 = tpu.memref_slice %arg4[%mul3A_2, %dma_wait3A_94] : memref<819200x128xf32, #tpu.memory_space<hbm>> -> memref<128x128xf32, #tpu.memory_space<hbm>>
    tpu.wait_dma2 semaphore(%arg15 : memref<!tpu.dma_semaphore, #tpu.memory_space<semaphore_mem>>) src(%arg7 : memref<128x128xf32, #tpu.memory_space<vmem>>) dst(%dma_wait3A_95 : memref<128x128xf32, #tpu.memory_space<hbm>>)
    %dma_wait3A_96 = arith.constant 0 : i32
    %dma_wait3A_97 = tpu.memref_slice %arg4[%mul3A_2, %dma_wait3A_96] : memref<819200x128xf32, #tpu.memory_space<hbm>> -> memref<128x128xf32, #tpu.memory_space<hbm>>
    %dma_wait3A_98 = arith.constant 0 : i32
    %dma_wait3A_99 = tpu.memref_slice %arg4[%mul3A_2, %dma_wait3A_98] : memref<819200x128xf32, #tpu.memory_space<hbm>> -> memref<128x128xf32, #tpu.memory_space<hbm>>
    tpu.wait_dma2 semaphore(%arg16 : memref<!tpu.dma_semaphore, #tpu.memory_space<semaphore_mem>>) src(%arg8 : memref<128x128xf32, #tpu.memory_space<vmem>>) dst(%dma_wait3A_99 : memref<128x128xf32, #tpu.memory_space<hbm>>)
    %dma_wait3A_100 = arith.constant 0 : i32
    %dma_wait3A_101 = tpu.memref_slice %arg4[%mul3A_2, %dma_wait3A_100] : memref<819200x128xf32, #tpu.memory_space<hbm>> -> memref<128x128xf32, #tpu.memory_space<hbm>>
    %dma_wait3A_102 = arith.constant 0 : i32
    %dma_wait3A_103 = tpu.memref_slice %arg4[%mul3A_2, %dma_wait3A_102] : memref<819200x128xf32, #tpu.memory_space<hbm>> -> memref<128x128xf32, #tpu.memory_space<hbm>>
    tpu.wait_dma2 semaphore(%arg17 : memref<!tpu.dma_semaphore, #tpu.memory_space<semaphore_mem>>) src(%arg9 : memref<128x128xf32, #tpu.memory_space<vmem>>) dst(%dma_wait3A_103 : memref<128x128xf32, #tpu.memory_space<hbm>>)
    %dma_wait3A_104 = arith.constant 0 : i32
    %dma_wait3A_105 = tpu.memref_slice %arg4[%mul3A_2, %dma_wait3A_104] : memref<819200x128xf32, #tpu.memory_space<hbm>> -> memref<128x128xf32, #tpu.memory_space<hbm>>
    %dma_wait3A_106 = arith.constant 0 : i32
    %dma_wait3A_107 = tpu.memref_slice %arg4[%mul3A_2, %dma_wait3A_106] : memref<819200x128xf32, #tpu.memory_space<hbm>> -> memref<128x128xf32, #tpu.memory_space<hbm>>
    tpu.wait_dma2 semaphore(%arg18 : memref<!tpu.dma_semaphore, #tpu.memory_space<semaphore_mem>>) src(%arg10 : memref<128x128xf32, #tpu.memory_space<vmem>>) dst(%dma_wait3A_107 : memref<128x128xf32, #tpu.memory_space<hbm>>)
    return
  }
}

module attributes {stable_mosaic.version = 14 : i64} {
  func.func @_g2_body(%arg0: memref<256x64xf32, #tpu.memory_space<vmem>>, %arg1: memref<64x64xf32, #tpu.memory_space<vmem>>, %arg2: memref<1x64xf32, #tpu.memory_space<vmem>>, %arg3: memref<256x128xf32, #tpu.memory_space<vmem>>) attributes {dimension_semantics = [], scalar_prefetch = 0 : i64, scratch_operands = 0 : i64, tpu.core_type = #tpu.core_type<tc>} {
    %get3A = arith.constant 0 : index
    %get3A_0 = arith.constant 0 : index
    %get3A_1 = vector.load %arg0[%get3A, %get3A_0] : memref<256x64xf32, #tpu.memory_space<vmem>>, vector<256x64xf32>
    %get3A_2 = arith.constant 0 : index
    %get3A_3 = arith.constant 0 : index
    %get3A_4 = vector.load %arg1[%get3A_2, %get3A_3] : memref<64x64xf32, #tpu.memory_space<vmem>>, vector<64x64xf32>
    %dot_general3A = arith.constant dense<0.000000e+00> : vector<256x64xf32>
    %dot_general3A_5 = tpu.matmul %get3A_1, %get3A_4, %dot_general3A {dimension_numbers = #tpu.dot_dimension_numbers<[1], [1], [0], [0], [0, 0, 1, 0], [], []>, transpose_lhs_hint = false} : vector<256x64xf32>, vector<64x64xf32>, vector<256x64xf32> -> vector<256x64xf32>
    %get3A_6 = arith.constant 0 : index
    %get3A_7 = arith.constant 0 : index
    %get3A_8 = vector.load %arg2[%get3A_6, %get3A_7] : memref<1x64xf32, #tpu.memory_space<vmem>>, vector<1x64xf32>
    %add3A = vector.broadcast %get3A_8 : vector<1x64xf32> to vector<256x64xf32>
    %add3A_9 = arith.addf %dot_general3A_5, %add3A : vector<256x64xf32>
    %logistic3A = arith.negf %add3A_9 : vector<256x64xf32>
    %logistic3A_10 = math.exp %logistic3A : vector<256x64xf32>
    %logistic3A_11 = arith.constant 1.000000e+00 : f32
    %logistic3A_12 = vector.broadcast %logistic3A_11 : f32 to vector<256x64xf32>
    %logistic3A_13 = arith.addf %logistic3A_12, %logistic3A_10 : vector<256x64xf32>
    %logistic3A_14 = arith.divf %logistic3A_12, %logistic3A_13 : vector<256x64xf32>
    %mul3A = arith.mulf %get3A_1, %logistic3A_14 : vector<256x64xf32>
    %concatenate3A = tpu.concatenate %mul3A, %mul3A in 1 : vector<256x64xf32>, vector<256x64xf32> -> vector<256x128xf32>
    %swap3A = arith.constant 0 : index
    %swap3A_15 = arith.constant 0 : index
    %swap3A_16 = vector.load %arg3[%swap3A, %swap3A_15] : memref<256x128xf32, #tpu.memory_space<vmem>>, vector<256x128xf32>
    tpu.vector_store %arg3[%swap3A, %swap3A_15], %concatenate3A {strides = array<i32>} : memref<256x128xf32, #tpu.memory_space<vmem>>, vector<256x128xf32>,
    return
  }
}

module attributes {stable_mosaic.version = 14 : i64} {
  func.func @_f_body(%arg0: i32, %arg1: memref<256x128xf32, #tpu.memory_space<vmem>>, %arg2: memref<25x256x128xf32, #tpu.memory_space<vmem>>) attributes {dimension_semantics = [#tpu.dimension_semantics<arbitrary>], iteration_bounds = array<i64: 8>, scalar_prefetch = 0 : i64, scratch_operands = 0 : i64, tpu.core_type = #tpu.core_type<tc>, window_params = [{pipeline_mode = #tpu.pipeline_mode<synchronous>, transform_indices = @transform_0, window_bounds = array<i64: 256, 128>}, {transform_indices = @transform_1, window_bounds = array<i64: 25, 256, 128>}]} {
    %mul3A = arith.constant 25 : i32
    %mul3A_0 = arith.muli %arg0, %mul3A : i32
    %iota3A = tpu.iota {dimensions = array<i32: 0>} : vector<25x128xi32>
    %add3A = vector.broadcast %mul3A_0 : i32 to vector<25x128xi32>
    %add3A_1 = arith.addi %add3A, %iota3A : vector<25x128xi32>
    %convert_element_type3A = arith.sitofp %add3A_1 : vector<25x128xi32> to vector<25x128xf32>
    %mul3A_2 = arith.constant 0.0122718466 : f32
    %mul3A_3 = vector.broadcast %mul3A_2 : f32 to vector<25x128xf32>
    %mul3A_4 = arith.mulf %mul3A_3, %convert_element_type3A : vector<25x128xf32>
    %iota3A_5 = tpu.iota {dimensions = array<i32: 1>} : vector<25x128xi32>
    %lt3A = arith.constant 64 : i32
    %lt3A_6 = vector.broadcast %lt3A : i32 to vector<25x128xi32>
    %lt3A_7 = arith.cmpi slt, %iota3A_5, %lt3A_6 : vector<25x128xi32>
    %cos3A = math.cos %mul3A_4 : vector<25x128xf32>
    %sin3A = math.sin %mul3A_4 : vector<25x128xf32>
    %select_n3A = arith.select %lt3A_7, %cos3A, %sin3A : vector<25x128xi1>, vector<25x128xf32>
    %get3A = arith.constant 0 : index
    %get3A_8 = arith.constant 0 : index
    %get3A_9 = vector.load %arg1[%get3A, %get3A_8] : memref<256x128xf32, #tpu.memory_space<vmem>>, vector<256x128xf32>
    %broadcast_in_dim3A = vector.shape_cast %get3A_9 : vector<256x128xf32> to vector<1x256x128xf32>
    %broadcast_in_dim3A_10 = vector.shape_cast %select_n3A : vector<25x128xf32> to vector<25x1x128xf32>
    %mul3A_11 = vector.broadcast %broadcast_in_dim3A : vector<1x256x128xf32> to vector<25x256x128xf32>
    %mul3A_12 = vector.broadcast %broadcast_in_dim3A_10 : vector<25x1x128xf32> to vector<25x256x128xf32>
    %mul3A_13 = arith.mulf %mul3A_11, %mul3A_12 : vector<25x256x128xf32>
    %swap3A = arith.constant 0 : index
    %swap3A_14 = arith.constant 0 : index
    %swap3A_15 = arith.constant 0 : index
    %swap3A_16 = vector.load %arg2[%swap3A, %swap3A_14, %swap3A_15] : memref<25x256x128xf32, #tpu.memory_space<vmem>>, vector<25x256x128xf32>
    tpu.vector_store %arg2[%swap3A, %swap3A_14, %swap3A_15], %mul3A_13 {strides = array<i32>} : memref<25x256x128xf32, #tpu.memory_space<vmem>>, vector<25x256x128xf32>,
    return
  }
  func.func @transform_0(%arg0: i32) -> (i32, i32) {
    %c0_i32 = arith.constant 0 : i32
    %c0_i32_0 = arith.constant 0 : i32
    %c0_i32_1 = arith.constant 0 : i32
    return %c0_i32, %c0_i32_0 : i32, i32
  }
  func.func @transform_1(%arg0: i32) -> (i32, i32, i32) {
    %c0_i32 = arith.constant 0 : i32
    %c0_i32_0 = arith.constant 0 : i32
    %c0_i32_1 = arith.constant 0 : i32
    return %arg0, %c0_i32, %c0_i32_0 : i32, i32, i32
  }
}

</mosaic_0001>

<sc_bundles>
// kernel: kernel.5.cloned.1.call-start
scs
__scs_entry_jumppad:
0x0: {  	(pc) =	sbr.rel $0x88, $3  }
0x1: {  	(tag) =	ssettag $0x0;
	lr =	simm.s32 $0x1  }
0x2: {  	[smem:$0x3F9D] =	sst lr;
	_ =	strace $0xD0000000  }
0x3: {  	_ = 	snop  }
0x4: {  	_ = 	snop  }
0x5: {  	_ = 	snop  }
0x6: {  	_ = 	snop  }
0x7: {  	_ = 	snop  }
__scs_overlays_trampoline_lowered:
0x8: {  	[smem:$0x3FAC] =	sst s0  }
0x9: {  	[smem:$0x3FAD] =	sst s1  }
0xa: {  	[smem:$0x3FAE] =	sst s2  }
0xb: {  	[smem:$0x3FAF] =	sst s3  }
0xc: {  	[smem:$0x3FB0] =	sst s4  }
0xd: {  	[smem:$0x3FB1] =	sst s5  }
0xe: {  	[smem:$0x3FB2] =	sst s6  }
0xf: {  	[smem:$0x3FB3] =	sst s7  }
0x10: {  	[smem:$0x3FB4] =	sst s8  }
0x11: {  	[smem:$0x3FB5] =	sst s9;
	s0 =	simm.s32 @!p0 $0x0  }
0x12: {  	s1 =	sld [smem:$0x3F9B];
	s0 =	simm.s32 @p0 $0x1  }
0x13: {  	[smem:$0x3FB6] =	sst s0;
	s0 =	simm.s32 @!p1 $0x0  }
0x14: {  	s2 =	sld [smem:$0x3F9A];
	s0 =	simm.s32 @p1 $0x1  }
0x15: {  	[smem:$0x3FB7] =	sst s0;
	s0 =	simm.s32 @!p2 $0x0  }
0x16: {  	s3 =	sld [smem:$0x3FDB];
	s0 =	simm.s32 @p2 $0x1  }
0x17: {  	s4 =	simm.s32 $0x1BF5;
	[smem:$0x3FB9] =	sst s0  }
0x18: {  	s0 =	sld [smem:$0x3F9C];
	_ =	swait.ge [sflag:s4], $0x0  }
0x19: {  	s7 =	sld [smem:$0x3F9D]  }
0x1a: {  	s8 =	sadd.s32 $0xFFFFE003, lr  }
0x1b: {  	s9 =	sadd.s32 $0xFFFFFEF7, lr;
	s5 =	simm.s32 $0xFFFFFFFF;
	p2 =	slt.u32 s8, $0xFFFFF086  }
0x1c: {  	p1 =	slt.u32 s9, $0xF7A;
	s5 =	simm.s32 @!p2 $0x0  }
0x1d: {  	s5 =	simm.s32 @p1 $0x1;
	p0 =	seq.s32 s7, s2  }
0x1e: {  	s7 =	smul.u32 @!p0 $0xF7A, s2;
	p2 =	seq.s32 @!p0 s5, $0x0  }
0x1f: {  	s9 =	smul.u32 $0xF7A, s1;
	s8 =	simm.s32 @!p0 $0x1BF5;
	p2 =	por !p2, p0  }
0x20: {  	[sflag:s8] =	ssyncset.s32 @!p0 $0xFFFFF086;
	s6 =	sadd.s32 @!p0 s3, s7;
	s7 =	simm.s32 @!p0 $0x108  }
0x21: {  	s3 =	sadd.s32 s3, s9;
	s6 =	sadd.s32 @!p0 $0x88, s6;
	s7 =	simm.s32 @p2 $0x1082  }
0x22: {  	[simem:s7], [sflag:s8] =	dma.local @!p0 [hbm:s6], $0xF7A  }
0x23: {  	s9 =	sor.u32 $0xD0000000, s2;
	s6 =	simm.s32 $0x108;
	_ =	swait.ge @!p0 [sflag:s8], $0x0  }
0x24: {  	s3 =	sadd.s32 $0x88, s3;
	s6 =	simm.s32 @!p1 $0x1082;
	[sflag:s4] =	ssyncset.s32 $0xFFFFF086  }
0x25: {  	[simem:s6], [sflag:s4] =	dma.local [hbm:s3], $0xF7A  }
0x26: {  	[smem:$0x3F9D] =	sst s1;
	(tag) =	ssettag s2;
	_ =	strace s9  }
0x27: {  	s1 =	sld [smem:$0x3FAD]  }
0x28: {  	s2 =	sld [smem:$0x3FAE]  }
0x29: {  	s4 =	sld [smem:$0x3FB0]  }
0x2a: {  	p0 =	seq.s32 s5, $0x0;
	s5 =	sld [smem:$0x3FB1]  }
0x2b: {  	s6 =	sld [smem:$0x3FB2]  }
0x2c: {  	s7 =	sld [smem:$0x3FB3]  }
0x2d: {  	s3 =	simm.s32 $0x108;
	s8 =	sld [smem:$0x3FB4]  }
0x2e: {  	s3 =	simm.s32 @!p0 $0x1082;
	s9 =	sld [smem:$0x3FB5]  }
0x2f: {  	lr =	sadd.s32 s0, s3;
	s0 =	sld [smem:$0x3FAC]  }
0x30: {  	s3 =	sld [smem:$0x3FAF]  }
0x31: {  	[smem:$0x3FB8] =	sst s10  }
0x32: {  	s10 =	sld [smem:$0x3FB6];
	_ =	sdelay $0x3  }
0x33: {  	p0 =	seq.s32 s10, $0x1;
	s10 =	sld [smem:$0x3FB8];
	_ =	sdelay $0x3  }
0x34: {  	[smem:$0x3FB8] =	sst s10  }
0x35: {  	s10 =	sld [smem:$0x3FB7];
	_ =	sdelay $0x3  }
0x36: {  	p1 =	seq.s32 s10, $0x1;
	s10 =	sld [smem:$0x3FB8];
	_ =	sdelay $0x3  }
0x37: {  	[smem:$0x3FB8] =	sst s10  }
0x38: {  	s10 =	sld [smem:$0x3FB9]  }
0x39: {  	_ = 	snop;
	(pc) =	sbr.ind lr, $3  }
0x3a: {  	_ = 	snop  }
0x3b: {  	_ = 	snop  }
0x3c: {  	p2 =	seq.s32 s10, $0x1;
	s10 =	sld [smem:$0x3FB8]  }
0x3d: {  	_ =	shalt  }
0x3e: {  	_ =	shalt  }
0x3f: {  	_ =	shalt  }
0x40: {  	_ =	shalt  }
0x41: {  	_ =	shalt  }
0x42: {  	_ =	shalt  }
0x43: {  	_ =	shalt  }
0x44: {  	_ =	shalt  }
0x45: {  	_ =	shalt  }
0x46: {  	_ =	shalt  }
0x47: {  	_ =	shalt  }
0x48: {  	_ =	shalt  }
0x49: {  	_ =	shalt  }
0x4a: {  	_ =	shalt  }
0x4b: {  	_ =	shalt  }
0x4c: {  	_ =	shalt  }
0x4d: {  	_ =	shalt  }
0x4e: {  	_ =	shalt  }
0x4f: {  	_ =	shalt  }
0x50: {  	_ =	shalt  }
0x51: {  	_ =	shalt  }
0x52: {  	_ =	shalt  }
0x53: {  	_ =	shalt  }
0x54: {  	_ =	shalt  }
0x55: {  	_ =	shalt  }
0x56: {  	_ =	shalt  }
0x57: {  	_ =	shalt  }
0x58: {  	_ =	shalt  }
0x59: {  	_ =	shalt  }
0x5a: {  	_ =	shalt  }
0x5b: {  	_ =	shalt  }
0x5c: {  	_ =	shalt  }
0x5d: {  	_ =	shalt  }
0x5e: {  	_ =	shalt  }
0x5f: {  	_ =	shalt  }
0x60: {  	_ =	shalt  }
0x61: {  	_ =	shalt  }
0x62: {  	_ =	shalt  }
0x63: {  	_ =	shalt  }
0x64: {  	_ =	shalt  }
0x65: {  	_ =	shalt  }
0x66: {  	_ =	shalt  }
0x67: {  	_ =	shalt  }
0x68: {  	_ =	shalt  }
0x69: {  	_ =	shalt  }
0x6a: {  	_ =	shalt  }
0x6b: {  	_ =	shalt  }
0x6c: {  	_ =	shalt  }
0x6d: {  	_ =	shalt  }
0x6e: {  	_ =	shalt  }
0x6f: {  	_ =	shalt  }
0x70: {  	_ =	shalt  }
0x71: {  	_ =	shalt  }
0x72: {  	_ =	shalt  }
0x73: {  	_ =	shalt  }
0x74: {  	_ =	shalt  }
0x75: {  	_ =	shalt  }
0x76: {  	_ =	shalt  }
0x77: {  	_ =	shalt  }
0x78: {  	_ =	shalt  }
0x79: {  	_ =	shalt  }
0x7a: {  	_ =	shalt  }
0x7b: {  	_ =	shalt  }
0x7c: {  	_ =	shalt  }
0x7d: {  	_ =	shalt  }
0x7e: {  	_ =	shalt  }
0x7f: {  	_ =	shalt  }
0x80: {  	_ =	shalt  }
0x81: {  	_ =	shalt  }
0x82: {  	_ =	shalt  }
0x83: {  	_ =	shalt  }
0x84: {  	_ =	shalt  }
0x85: {  	_ =	shalt  }
0x86: {  	_ =	shalt  }
0x87: {  	_ =	shalt  }
.Lfunc_end0:
.L_simem_size_0:
called_computation_lowered:
.L_overlay_start_0:
0x88: {  	s2 =	sld [smem:$0x3FD9]  }
0x89: {  	s3 =	sld [smem:$0x3FFE];
	_ =	sdelay $0x1  }
0x8a: {  	s1 =	srdreg.scid  }
0x8b: {  	s0 =	sand.u32 $0x1, s1  }
0x8c: {  	s17 =	sshll.u32 s0, $0xA;
	s2 =	sadd.s32 s3, s2  }
0x8d: {  	s2 =	sadd.s32 s2, s17  }
0x8e: {  	[smem:$0x3FC4] =	sst s2  }
0x8f: {  	_ = 	snop  }
0x90: {  	s2 =	sld [smem:$0x3FD0];
	(tm) =	ssettm $0x1  }
0x91: {  	s18 =	sld [smem:$0x3FFB];
	_ =	sdelay $0x3  }
0x92: {  	_ =	strace s18  }
0x93: {  	s3 =	sld [smem:$0x3FFC];
	_ =	sdelay $0x3  }
0x94: {  	_ =	strace s3  }
0x95: {  	s3 =	sld [smem:$0x3FFD];
	_ =	sdelay $0x3  }
0x96: {  	_ =	strace s3  }
0x97: {  	_ =	strace $0x8FFFFFFF  }
0x98: {  	s19 =	sld [smem:$0x3FDB];
	_ =	sdelay $0x1  }
0x99: {  	s4 =	simm.s32 $_scs_section_size  }
0x9a: {  	s5 =	simm.s32 $_size__tile_overlayer_lowered;
	s6 =	simm.s32 $_tile_overlayer_lowered  }
0x9b: {  	s22 =	simm.s32 $0x1BFF;
	s21 =	sshll.u32 s6, $0x1;
	s3 =	sadd.s32 s4, s19  }
0x9c: {  	s7 =	simm.s32 $0x0;
	s20 =	sshll.u32 s5, $0x1;
	s5 =	sadd.s32 s21, s3  }
0x9d: {  	[timem:s7], [sflag:s22] =	dma.local [hbm:s5], s20  }
0x9e: {  	_ =	swait.ge [sflag:s22], s20  }
0x9f: {  	s4 =	ssub.s32 $0x0, s20;
	[sflag:s22] =	ssyncset.done $0x0  }
0xa0: {  	[sflag:s22] =	ssyncadd.s32 s4;
	_ =	sdelay $0x1  }
0xa1: {  	s23 =	simm.s32 $0x1B8B  }
0xa2: {  	_ =	swait.ge [sflag:s23], $0x1  }
0xa3: {  	[sflag:s23] =	ssyncset.done $0x0  }
0xa4: {  	s25 =	simm.s32 $0x1B8E;
	s24 =	sld [smem:$0x3FFE];
	[sflag:s23] =	ssyncadd.s32 $0xFFFFFFFF  }
0xa5: {  	s26 =	simm.s32 $execute0_lowered;
	[smem:$0x3FD2] =	sst s25  }
0xa6: {  	s5 =	sshll.u32 s26, $0x1;
	_ =	strace $0x80000046;
	[dreg:$0x1] =	wrdreg $0xFFFFFFFF  }
0xa7: {  	s28 =	simm.s32 $_size_execute0_lowered;
	s3 =	sadd.s32 s3, s5;
	[dreg:$0x0] =	wrdreg $0x0  }
0xa8: {  	s5 =	sshll.u32 s28, $0x1;
	[dreg:$0x2] =	wrdreg s3  }
0xa9: {  	[dreg:$0x3] =	wrdreg s5  }
0xaa: {  	[dreg:$0x4] =	wrdreg $0xC0  }
0xab: {  	_ =	task [dreg:s7], $0x5FFFF  }
0xac: {  	[dreg:$0x1] =	wrdreg $0xFFFFFFFF  }
0xad: {  	[dreg:$0x0] =	wrdreg $0x60  }
0xae: {  	[dreg:$0x2] =	wrdreg s24  }
0xaf: {  	[dreg:$0x3] =	wrdreg s2  }
0xb0: {  	[dreg:$0x4] =	wrdreg $0x9  }
0xb1: {  	_ =	task.clear_ibuf [dreg:s7], $0x5FFFF;
	_ =	strace $0x90000046  }
0xb2: {  	s29 =	simm.s32 $0x9;
	_ =	strace $0x80000048  }
0xb3: {  	_ =	swait.ge [sflag:s29], $0x1  }
0xb4: {  	[sflag:s29] =	ssyncadd.s32 $0xFFFFFFFF  }
0xb5: {  	_ =	strace $0x90000048  }
0xb6: {  	_ =	sfence  }
0xb7: {  	s30 =	sld [smem:$0x0];
	_ =	sdelay $0x2  }
0xb8: {  	s31 =	sshll.u32 s1, $0xD;
	s1 =	sshrl.u32 s1, $0x2  }
0xb9: {  	s3 =	sand.u32 $0x4000, s31;
	s1 =	sadd.s32 s1, s30  }
0xba: {  	s0 =	sor.u32 s3, s0;
	s1 =	sshll.u32 s1, $0x11  }
0xbb: {  	s0 =	sor.u32 s1, s0  }
0xbc: {  	s0 =	sadd.s32 $0x8F2B, s0  }
0xbd: {  	[sflag:s0] =	ssyncadd.remote.s32 $0x1  }
0xbe: {  	_ =	sfence.sel $0xFFFF  }
0xbf: {  	[dreg:$0x0] =	wrdreg $0xFFFFFFFF;
	(pc) =	sbr.abs _section_cstart, $3  }
0xc0: {  	[dreg:$0x1] =	wrdreg $0xFFFFFFFF  }
0xc1: {  	_ =	task.clear_ibuf [dreg:s7], $0x2FFFF;
	_ =	strace $0x9FFFFFFF  }
0xc2: {  	(tm) =	ssettm $0x7FFFFFFF  }
0xc3: {  	_ =	shalt  }
tec
execute0_lowered:
.L_overlay_start_1:
0x0: {  	(tag) =	ssettag $0x1  }
0x1: {  	s0 =	rddreg [dreg:$0x0]  }
0x2: {  	s1 =	srdreg.scid;
	s11 =	stileid.u32  }
0x3: {  	s8 =	rddreg [dreg:$0x1];
	s2 =	simm.s32 $0x0;
	s15 =	simm.s32 $0xC800  }
0x4: {  	s17 =	simm.s32 $0x10800;
	s18 =	simm.s32 $0x1;
	s20 =	simm.s32 $0x14800  }
0x5: {  	s28 =	simm.s32 $0x6;
	s29 =	simm.s32 $0x7;
	s22 =	smul.u32 $0xC800, s11  }
0x6: {  	s30 =	simm.s32 $0x8;
	s1 =	sand.u32 $0x1, s1;
	s24 =	smul.u32 $0xC8000, s11  }
0x7: {  	s3 =	sshll.u32 s11, $0x1;
	[smem:$0x7FF] =	sst s2;
	s12 =	smul.u32 $0x64000, s1  }
0x8: {  	s4 =	sor.u32 s1, s3;
	s6 =	ssub.s32 $0x2, s1;
	s1 =	smul.u32 $0x6400, s1  }
0x9: {  	s31 =	simm.s32 $0x0;
	_ =	strace $0x80000047;
	s5 =	smul.u32 $0x6400, s4  }
0xa: {  	s3 =	sadd.s32 $0x19800, s0;
	s7 =	smul.u32 $0x64000, s4;
	s21 =	sshrl.u32 s6, $0x1  }
0xb: {  	s9 =	smul.u32 $0x320000, s4;
	s13 =	sadd.s32 s24, s8;
	s24 =	simm.s32 $0x3  }
0xc: {  	s10 =	ssub.s32 s6, s21;
	s26 =	sadd.s32 s12, s13;
	s12 =	simm.s32 $0x9  }
0xd: {  	s13 =	simm.s32 $0x80;
	s21 =	simm.s32 $0x2;
	s5 =	sshrl.u32 s5, $0x3  }
0xe: {  	s23 =	sshrl.u32 s9, $0x3;
	s9 =	smax.u32 s10, $0x1;
	s10 =	sadd.s32 s1, s22  }
0xf: {  	s11 =	sadd.s32 $0x1800, s26;
	s22 =	simm.s32 $0x6580;
	s26 =	simm.s32 $0x4  }
0x10: {  	s0 =	sadd.s32 s5, s0;
	s5 =	sadd.s32 s8, s7;
	s25 =	sadd.s32 s8, s23  }
0x11: {  	s23 =	simm.s32 $0x18800;
	s4 =	sadd.s32 $0x800, s0;
	s6 =	sadd.s32 $0x800, s5  }
0x12: {  	v0 =	vlaneseq.u32;
	s7 =	sadd.s32 $0x63000, s25;
	s8 =	sadd.s32 $0x63800, s25;
	s25 =	simm.s32 $0x5  }
.LBB2_1:
0x13: {  	[tilespmem:s2], [sflag:$0x9] =	stream.linear.gather [hbm4b:s4+s2], $0x6400, $0x38;
	[tilespmem:$0x1C800] =	vst v63  }
0x14: {  	s14 =	sadd.s32 $0x0, s10  }
0x15: {  	_ =	swait.ge [sflag:s12], $0x6400;
	v1 =	vor.u32 s14, v0  }
0x16: {  	[sflag:s12] =	ssyncset.done $0x0;
	v2 =	vmulhi.u32 $0x51EB851F, v1  }
0x17: {  	s0 =	simm.s32 $0x40;
	[sflag:s12] =	ssyncadd.s32 $0xFFFF9C00  }
0x18: {  	v2 =	vshrl.u32 v2, $0x6;
	v3 =	vld [tilespmem:s0+$0xFFFFFFC0]  }
0x19: {  	v2 =	vmul.u32 $0xC8, v2;
	_ =	sdelay $0x1  }
0x1a: {  	s1 =	sadd.s32 $0x10, s14;
	v1 =	vsub.s32 v1, v2  }
0x1b: {  	v2 =	vor.u32 s1, v0;
	v1 =	vshll.u32 v1, $0x8  }
0x1c: {  	s1 =	simm.s32 $0x6440;
	v1 =	vadd.s32 v1, v3;
	v3 =	vmulhi.u32 $0x51EB851F, v2  }
0x1d: {  	[tilespmem:s1+$0xFFFFFFC0] =	vst v1  }
0x1e: {  	v1 =	vshrl.u32 v3, $0x6;
	v3 =	vld [tilespmem:s0+$0xFFFFFFD0]  }
0x1f: {  	v1 =	vmul.u32 $0xC8, v1;
	_ =	sdelay $0x1  }
0x20: {  	s16 =	sadd.s32 $0x20, s14;
	v1 =	vsub.s32 v2, v1  }
0x21: {  	v2 =	vor.u32 s16, v0;
	v1 =	vshll.u32 v1, $0x8  }
0x22: {  	v1 =	vadd.s32 v1, v3;
	v3 =	vmulhi.u32 $0x51EB851F, v2  }
0x23: {  	[tilespmem:s1+$0xFFFFFFD0] =	vst v1  }
0x24: {  	v1 =	vshrl.u32 v3, $0x6;
	v3 =	vld [tilespmem:s0+$0xFFFFFFE0]  }
0x25: {  	v1 =	vmul.u32 $0xC8, v1;
	_ =	sdelay $0x1  }
0x26: {  	s19 =	sadd.s32 $0x30, s14;
	v1 =	vsub.s32 v2, v1  }
0x27: {  	v2 =	vor.u32 s19, v0;
	v1 =	vshll.u32 v1, $0x8  }
0x28: {  	v1 =	vadd.s32 v1, v3;
	v3 =	vmulhi.u32 $0x51EB851F, v2  }
0x29: {  	[tilespmem:s1+$0xFFFFFFE0] =	vst v1  }
0x2a: {  	v1 =	vshrl.u32 v3, $0x6;
	v3 =	vld [tilespmem:s0+$0xFFFFFFF0]  }
0x2b: {  	v1 =	vmul.u32 $0xC8, v1;
	_ =	sdelay $0x1  }
0x2c: {  	s19 =	sadd.s32 $0x40, s14;
	v1 =	vsub.s32 v2, v1  }
0x2d: {  	v2 =	vor.u32 s19, v0;
	v1 =	vshll.u32 v1, $0x8  }
0x2e: {  	v1 =	vadd.s32 v1, v3;
	v3 =	vmulhi.u32 $0x51EB851F, v2  }
0x2f: {  	[tilespmem:s1+$0xFFFFFFF0] =	vst v1  }
0x30: {  	v1 =	vshrl.u32 v3, $0x6;
	v3 =	vld [tilespmem:s0+$0x0]  }
0x31: {  	v1 =	vmul.u32 $0xC8, v1;
	_ =	sdelay $0x1  }
0x32: {  	s19 =	sadd.s32 $0x50, s14;
	v1 =	vsub.s32 v2, v1  }
0x33: {  	v2 =	vor.u32 s19, v0;
	v1 =	vshll.u32 v1, $0x8  }
0x34: {  	v1 =	vadd.s32 v1, v3;
	v3 =	vmulhi.u32 $0x51EB851F, v2  }
0x35: {  	[tilespmem:s1+$0x0] =	vst v1  }
0x36: {  	v1 =	vshrl.u32 v3, $0x6;
	v3 =	vld [tilespmem:s0+$0x10]  }
0x37: {  	v1 =	vmul.u32 $0xC8, v1;
	_ =	sdelay $0x1  }
0x38: {  	s19 =	sadd.s32 $0x60, s14;
	v1 =	vsub.s32 v2, v1  }
0x39: {  	v2 =	vor.u32 s19, v0;
	v1 =	vshll.u32 v1, $0x8  }
0x3a: {  	v1 =	vadd.s32 v1, v3;
	v3 =	vmulhi.u32 $0x51EB851F, v2  }
0x3b: {  	[tilespmem:s1+$0x10] =	vst v1  }
0x3c: {  	v1 =	vshrl.u32 v3, $0x6;
	v3 =	vld [tilespmem:s0+$0x20]  }
0x3d: {  	v1 =	vmul.u32 $0xC8, v1;
	_ =	sdelay $0x1  }
0x3e: {  	s14 =	sadd.s32 $0x70, s14;
	v1 =	vsub.s32 v2, v1  }
0x3f: {  	v4 =	vor.u32 s14, v0;
	v1 =	vshll.u32 v1, $0x8  }
0x40: {  	v5 =	vmulhi.u32 $0x51EB851F, v4;
	v1 =	vadd.s32 v1, v3  }
0x41: {  	[tilespmem:s1+$0x20] =	vst v1  }
0x42: {  	v2 =	vshrl.u32 v5, $0x6;
	v1 =	vld [tilespmem:s0+$0x30]  }
0x43: {  	v2 =	vmul.u32 $0xC8, v2;
	_ =	sdelay $0x1  }
0x44: {  	s16 =	simm.s32 $0x100;
	s14 =	sadd.s32 $0x80, s10;
	v2 =	vsub.s32 v4, v2  }
.LBB2_2:
0x45: {  	p0 =	sne.s32 s16, $0x6380;
	v3 =	vor.u32 s14, v0;
	v2 =	vshll.u32 v2, $0x8  }
0x46: {  	v4 =	vmulhi.u32 $0x51EB851F, v3;
	v1 =	vadd.s32 v2, v1  }
0x47: {  	s0 =	sadd.s32 $0x80, s0;
	[tilespmem:s1+$0x30] =	vst v1  }
0x48: {  	v1 =	vshrl.u32 v4, $0x6;
	v2 =	vld [tilespmem:s0+$0xFFFFFFC0]  }
0x49: {  	v1 =	vmul.u32 $0xC8, v1;
	_ =	sdelay $0x1  }
0x4a: {  	s19 =	sadd.s32 $0x10, s14;
	v1 =	vsub.s32 v3, v1  }
0x4b: {  	v3 =	vor.u32 s19, v0;
	v1 =	vshll.u32 v1, $0x8  }
0x4c: {  	s1 =	sadd.s32 $0x80, s1;
	v1 =	vadd.s32 v1, v2;
	v2 =	vmulhi.u32 $0x51EB851F, v3  }
0x4d: {  	[tilespmem:s1+$0xFFFFFFC0] =	vst v1  }
0x4e: {  	v1 =	vshrl.u32 v2, $0x6;
	v2 =	vld [tilespmem:s0+$0xFFFFFFD0]  }
0x4f: {  	v1 =	vmul.u32 $0xC8, v1;
	_ =	sdelay $0x1  }
0x50: {  	s19 =	sadd.s32 $0x20, s14;
	v1 =	vsub.s32 v3, v1  }
0x51: {  	v3 =	vor.u32 s19, v0;
	v1 =	vshll.u32 v1, $0x8  }
0x52: {  	v1 =	vadd.s32 v1, v2;
	v2 =	vmulhi.u32 $0x51EB851F, v3  }
0x53: {  	[tilespmem:s1+$0xFFFFFFD0] =	vst v1  }
0x54: {  	v1 =	vshrl.u32 v2, $0x6;
	v2 =	vld [tilespmem:s0+$0xFFFFFFE0]  }
0x55: {  	v1 =	vmul.u32 $0xC8, v1;
	_ =	sdelay $0x1  }
0x56: {  	s19 =	sadd.s32 $0x30, s14;
	v1 =	vsub.s32 v3, v1  }
0x57: {  	v3 =	vor.u32 s19, v0;
	v1 =	vshll.u32 v1, $0x8  }
0x58: {  	v1 =	vadd.s32 v1, v2;
	v2 =	vmulhi.u32 $0x51EB851F, v3  }
0x59: {  	[tilespmem:s1+$0xFFFFFFE0] =	vst v1  }
0x5a: {  	v1 =	vshrl.u32 v2, $0x6;
	v2 =	vld [tilespmem:s0+$0xFFFFFFF0]  }
0x5b: {  	v1 =	vmul.u32 $0xC8, v1;
	_ =	sdelay $0x1  }
0x5c: {  	s19 =	sadd.s32 $0x40, s14;
	v1 =	vsub.s32 v3, v1  }
0x5d: {  	v3 =	vor.u32 s19, v0;
	v1 =	vshll.u32 v1, $0x8  }
0x5e: {  	v1 =	vadd.s32 v1, v2;
	v2 =	vmulhi.u32 $0x51EB851F, v3  }
0x5f: {  	[tilespmem:s1+$0xFFFFFFF0] =	vst v1  }
0x60: {  	v1 =	vshrl.u32 v2, $0x6;
	v2 =	vld [tilespmem:s0+$0x0]  }
0x61: {  	v1 =	vmul.u32 $0xC8, v1;
	_ =	sdelay $0x1  }
0x62: {  	s19 =	sadd.s32 $0x50, s14;
	v1 =	vsub.s32 v3, v1  }
0x63: {  	v3 =	vor.u32 s19, v0;
	v1 =	vshll.u32 v1, $0x8  }
0x64: {  	v1 =	vadd.s32 v1, v2;
	v2 =	vmulhi.u32 $0x51EB851F, v3  }
0x65: {  	[tilespmem:s1+$0x0] =	vst v1  }
0x66: {  	v1 =	vshrl.u32 v2, $0x6;
	v2 =	vld [tilespmem:s0+$0x10]  }
0x67: {  	v1 =	vmul.u32 $0xC8, v1;
	_ =	sdelay $0x1  }
0x68: {  	s19 =	sadd.s32 $0x60, s14;
	v1 =	vsub.s32 v3, v1  }
0x69: {  	v3 =	vor.u32 s19, v0;
	v1 =	vshll.u32 v1, $0x8  }
0x6a: {  	v1 =	vadd.s32 v1, v2;
	v2 =	vmulhi.u32 $0x51EB851F, v3  }
0x6b: {  	[tilespmem:s1+$0x10] =	vst v1  }
0x6c: {  	v1 =	vshrl.u32 v2, $0x6;
	v2 =	vld [tilespmem:s0+$0x20]  }
0x6d: {  	v1 =	vmul.u32 $0xC8, v1;
	_ =	sdelay $0x1  }
0x6e: {  	s14 =	sadd.s32 $0x70, s14;
	v1 =	vsub.s32 v3, v1  }
0x6f: {  	v3 =	vor.u32 s14, v0;
	v1 =	vshll.u32 v1, $0x8  }
0x70: {  	v1 =	vadd.s32 v1, v2;
	v2 =	vmulhi.u32 $0x51EB851F, v3  }
.Ltmp0:
0x71: {  	[tilespmem:s1+$0x20] =	vst v1;
	(pc) =	sbr.rel @p0 .LBB2_2-.Ltmp0, $3  }
0x72: {  	v2 =	vshrl.u32 v2, $0x6;
	v1 =	vld [tilespmem:s0+$0x30]  }
0x73: {  	v2 =	vmul.u32 $0xC8, v2;
	_ =	sdelay $0x1  }
0x74: {  	s14 =	sadd.s32 s16, s10;
	s16 =	sadd.s32 $0x80, s16;
	v2 =	vsub.s32 v3, v2  }
0x75: {  	v3 =	vor.u32 s14, v0;
	v2 =	vshll.u32 v2, $0x8  }
0x76: {  	v4 =	vmulhi.u32 $0x51EB851F, v3;
	v1 =	vadd.s32 v2, v1  }
0x77: {  	s0 =	sadd.s32 $0x80, s0;
	[tilespmem:s1+$0x30] =	vst v1  }
0x78: {  	v1 =	vshrl.u32 v4, $0x6;
	v2 =	vld [tilespmem:s0+$0xFFFFFFC0]  }
0x79: {  	v1 =	vmul.u32 $0xC8, v1;
	_ =	sdelay $0x1  }
0x7a: {  	s16 =	sadd.s32 $0x10, s14;
	v1 =	vsub.s32 v3, v1  }
0x7b: {  	v3 =	vor.u32 s16, v0;
	v1 =	vshll.u32 v1, $0x8  }
0x7c: {  	s1 =	sadd.s32 $0x80, s1;
	v1 =	vadd.s32 v1, v2;
	v2 =	vmulhi.u32 $0x51EB851F, v3  }
0x7d: {  	[tilespmem:s1+$0xFFFFFFC0] =	vst v1  }
0x7e: {  	v1 =	vshrl.u32 v2, $0x6;
	v2 =	vld [tilespmem:s0+$0xFFFFFFD0]  }
0x7f: {  	v1 =	vmul.u32 $0xC8, v1;
	_ =	sdelay $0x1  }
0x80: {  	s19 =	sadd.s32 $0x20, s14;
	v1 =	vsub.s32 v3, v1  }
0x81: {  	v3 =	vor.u32 s19, v0;
	v1 =	vshll.u32 v1, $0x8  }
0x82: {  	v1 =	vadd.s32 v1, v2;
	v2 =	vmulhi.u32 $0x51EB851F, v3  }
0x83: {  	[tilespmem:s1+$0xFFFFFFD0] =	vst v1  }
0x84: {  	v1 =	vshrl.u32 v2, $0x6;
	v2 =	vld [tilespmem:s0+$0xFFFFFFE0]  }
0x85: {  	v1 =	vmul.u32 $0xC8, v1;
	_ =	sdelay $0x1  }
0x86: {  	s19 =	sadd.s32 $0x30, s14;
	v1 =	vsub.s32 v3, v1  }
0x87: {  	v3 =	vor.u32 s19, v0;
	v1 =	vshll.u32 v1, $0x8  }
0x88: {  	v1 =	vadd.s32 v1, v2;
	v2 =	vmulhi.u32 $0x51EB851F, v3  }
0x89: {  	[tilespmem:s1+$0xFFFFFFE0] =	vst v1  }
0x8a: {  	v1 =	vshrl.u32 v2, $0x6;
	v2 =	vld [tilespmem:s0+$0xFFFFFFF0]  }
0x8b: {  	v1 =	vmul.u32 $0xC8, v1;
	_ =	sdelay $0x1  }
0x8c: {  	s19 =	sadd.s32 $0x40, s14;
	v1 =	vsub.s32 v3, v1  }
0x8d: {  	v3 =	vor.u32 s19, v0;
	v1 =	vshll.u32 v1, $0x8  }
0x8e: {  	v1 =	vadd.s32 v1, v2;
	v2 =	vmulhi.u32 $0x51EB851F, v3  }
0x8f: {  	[tilespmem:s1+$0xFFFFFFF0] =	vst v1  }
0x90: {  	v1 =	vshrl.u32 v2, $0x6;
	v2 =	vld [tilespmem:s0+$0x0]  }
0x91: {  	v1 =	vmul.u32 $0xC8, v1;
	_ =	sdelay $0x1  }
0x92: {  	s19 =	sadd.s32 $0x50, s14;
	v1 =	vsub.s32 v3, v1  }
0x93: {  	v3 =	vor.u32 s19, v0;
	v1 =	vshll.u32 v1, $0x8  }
0x94: {  	v1 =	vadd.s32 v1, v2;
	v2 =	vmulhi.u32 $0x51EB851F, v3  }
0x95: {  	[tilespmem:s1+$0x0] =	vst v1  }
0x96: {  	v1 =	vshrl.u32 v2, $0x6;
	v2 =	vld [tilespmem:s0+$0x10]  }
0x97: {  	v1 =	vmul.u32 $0xC8, v1;
	_ =	sdelay $0x1  }
0x98: {  	s19 =	sadd.s32 $0x60, s14;
	v1 =	vsub.s32 v3, v1  }
0x99: {  	v3 =	vor.u32 s19, v0;
	v1 =	vshll.u32 v1, $0x8  }
0x9a: {  	v1 =	vadd.s32 v1, v2;
	v2 =	vmulhi.u32 $0x51EB851F, v3  }
0x9b: {  	[tilespmem:s1+$0x10] =	vst v1  }
0x9c: {  	v1 =	vshrl.u32 v2, $0x6;
	v2 =	vld [tilespmem:s0+$0x20]  }
0x9d: {  	v1 =	vmul.u32 $0xC8, v1;
	_ =	sdelay $0x1  }
0x9e: {  	s19 =	sadd.s32 $0x70, s14;
	v1 =	vsub.s32 v3, v1  }
0x9f: {  	v3 =	vor.u32 s19, v0;
	v1 =	vshll.u32 v1, $0x8  }
0xa0: {  	v1 =	vadd.s32 v1, v2;
	v2 =	vmulhi.u32 $0x51EB851F, v3  }
0xa1: {  	[tilespmem:s1+$0x20] =	vst v1  }
0xa2: {  	v1 =	vshrl.u32 v2, $0x6;
	v2 =	vld [tilespmem:s0+$0x30]  }
0xa3: {  	v1 =	vmul.u32 $0xC8, v1;
	_ =	sdelay $0x1  }
0xa4: {  	v1 =	vsub.s32 v3, v1  }
0xa5: {  	v1 =	vshll.u32 v1, $0x8  }
0xa6: {  	v1 =	vadd.s32 v1, v2  }
0xa7: {  	s14 =	simm.s32 $0x6400;
	[tilespmem:s1+$0x30] =	vst v1  }
0xa8: {  	[tilespmem:s15], [sflag:$0x1] =	stream.indirect.gather [hbm4b:s3+s13], $0x80, s14, s13, $0xb8;
	[tilespmem:$0x1C800] =	vst v63  }
0xa9: {  	s16 =	simm.s32 $0x6480  }
0xaa: {  	[tilespmem:s17], [sflag:$0x2] =	stream.indirect.gather [hbm4b:s3+s13], $0x80, s16, s13, $0xb8;
	[tilespmem:$0x1C800] =	vst v63  }
0xab: {  	_ =	swait.ge [sflag:s18], $0x4000  }
0xac: {  	[sflag:s18] =	ssyncset.done $0x0  }
0xad: {  	s19 =	simm.s32 $0x0;
	[sflag:s18] =	ssyncadd.s32 $0xFFFFC000  }
0xae: {  	[hbm4b:s5+s19] =	stream.linear.scatter [tilespmem:s15], [sflag:$0x5], $0x4000, $0x38;
	[tilespmem:$0x1C800] =	vst v63  }
0xaf: {  	s14 =	simm.s32 $0x6500  }
0xb0: {  	[tilespmem:s20], [sflag:$0x3] =	stream.indirect.gather [hbm4b:s3+s13], $0x80, s14, s13, $0xb8;
	[tilespmem:$0x1C800] =	vst v63  }
0xb1: {  	_ =	swait.ge [sflag:s21], $0x4000  }
0xb2: {  	[sflag:s21] =	ssyncset.done $0x0  }
0xb3: {  	[sflag:s21] =	ssyncadd.s32 $0xFFFFC000  }
0xb4: {  	[hbm4b:s6+s19] =	stream.linear.scatter [tilespmem:s17], [sflag:$0x6], $0x4000, $0x38;
	[tilespmem:$0x1C800] =	vst v63  }
0xb5: {  	_ = 	snop  }
0xb6: {  	[tilespmem:s23], [sflag:$0x4] =	stream.indirect.gather [hbm4b:s3+s13], $0x80, s22, s13, $0xb8;
	[tilespmem:$0x1C800] =	vst v63  }
0xb7: {  	_ =	swait.ge [sflag:s24], $0x4000  }
0xb8: {  	[sflag:s24] =	ssyncset.done $0x0  }
0xb9: {  	s16 =	sadd.s32 $0xFFFFF800, s11;
	[sflag:s24] =	ssyncadd.s32 $0xFFFFC000  }
0xba: {  	[hbm4b:s16+s2] =	stream.linear.scatter [tilespmem:s20], [sflag:$0x7], $0x4000, $0x38;
	[tilespmem:$0x1C800] =	vst v63  }
0xbb: {  	_ =	swait.ge [sflag:s25], $0x4000  }
0xbc: {  	[sflag:s25] =	ssyncset.done $0x0  }
0xbd: {  	s19 =	simm.s32 $0x6600;
	[sflag:s25] =	ssyncadd.s32 $0xFFFFC000  }
0xbe: {  	[tilespmem:s15], [sflag:$0x1] =	stream.indirect.gather [hbm4b:s3+s13], $0x80, s19, s13, $0xb8;
	[tilespmem:$0x1C800] =	vst v63  }
0xbf: {  	_ =	swait.ge [sflag:s26], $0x4000  }
0xc0: {  	[sflag:s26] =	ssyncset.done $0x0  }
0xc1: {  	[sflag:s26] =	ssyncadd.s32 $0xFFFFC000  }
0xc2: {  	[hbm4b:s11+s2] =	stream.linear.scatter [tilespmem:s23], [sflag:$0x8], $0x4000, $0x38;
	[tilespmem:$0x1C800] =	vst v63  }
0xc3: {  	_ =	swait.ge [sflag:s28], $0x4000  }
0xc4: {  	[sflag:s28] =	ssyncset.done $0x0  }
0xc5: {  	s1 =	simm.s32 $0x6680;
	[sflag:s28] =	ssyncadd.s32 $0xFFFFC000  }
0xc6: {  	[tilespmem:s17], [sflag:$0x2] =	stream.indirect.gather [hbm4b:s3+s13], $0x80, s1, s13, $0xb8;
	[tilespmem:$0x1C800] =	vst v63  }
0xc7: {  	_ =	swait.ge [sflag:s18], $0x4000  }
0xc8: {  	[sflag:s18] =	ssyncset.done $0x0  }
0xc9: {  	s14 =	sadd.s32 $0x800, s11;
	[sflag:s18] =	ssyncadd.s32 $0xFFFFC000  }
0xca: {  	[hbm4b:s14+s2] =	stream.linear.scatter [tilespmem:s15], [sflag:$0x5], $0x4000, $0x38;
	[tilespmem:$0x1C800] =	vst v63  }
0xcb: {  	_ =	swait.ge [sflag:s29], $0x4000  }
0xcc: {  	[sflag:s29] =	ssyncset.done $0x0  }
0xcd: {  	s16 =	simm.s32 $0x6700;
	[sflag:s29] =	ssyncadd.s32 $0xFFFFC000  }
0xce: {  	[tilespmem:s20], [sflag:$0x3] =	stream.indirect.gather [hbm4b:s3+s13], $0x80, s16, s13, $0xb8;
	[tilespmem:$0x1C800] =	vst v63  }
0xcf: {  	_ =	swait.ge [sflag:s21], $0x4000  }
0xd0: {  	[sflag:s21] =	ssyncset.done $0x0  }
0xd1: {  	s19 =	sadd.s32 $0x1000, s11;
	[sflag:s21] =	ssyncadd.s32 $0xFFFFC000  }
0xd2: {  	[hbm4b:s19+s2] =	stream.linear.scatter [tilespmem:s17], [sflag:$0x6], $0x4000, $0x38;
	[tilespmem:$0x1C800] =	vst v63  }
0xd3: {  	_ =	swait.ge [sflag:s30], $0x4000  }
0xd4: {  	s0 =	simm.s32 $0x800;
	[sflag:s30] =	ssyncset.done $0x0  }
0xd5: {  	s1 =	sadd.s32 $0x2000, s11;
	s14 =	simm.s32 $0x6780;
	[sflag:s30] =	ssyncadd.s32 $0xFFFFC000  }
.LBB2_4:
0xd6: {  	[tilespmem:s23], [sflag:$0x4] =	stream.indirect.gather [hbm4b:s3+s13], $0x80, s14, s13, $0xb8;
	[tilespmem:$0x1C800] =	vst v63  }
0xd7: {  	s14 =	smov.u32 s0  }
0xd8: {  	p0 =	sne.s32 s0, $0x18000;
	s0 =	sadd.s32 $0x800, s0;
	_ =	swait.ge [sflag:s24], $0x4000  }
0xd9: {  	[sflag:s24] =	ssyncset.done $0x0  }
0xda: {  	s16 =	sadd.s32 $0xFFFFF800, s1;
	[sflag:s24] =	ssyncadd.s32 $0xFFFFC000  }
0xdb: {  	[hbm4b:s16+s2] =	stream.linear.scatter [tilespmem:s20], [sflag:$0x7], $0x4000, $0x38;
	[tilespmem:$0x1C800] =	vst v63  }
0xdc: {  	_ =	swait.ge [sflag:s25], $0x4000  }
0xdd: {  	s14 =	sshra.s32 s14, $0x2;
	[sflag:s25] =	ssyncset.done $0x0  }
0xde: {  	s16 =	sadd.s32 $0x6600, s14;
	[sflag:s25] =	ssyncadd.s32 $0xFFFFC000  }
0xdf: {  	[tilespmem:s15], [sflag:$0x1] =	stream.indirect.gather [hbm4b:s3+s13], $0x80, s16, s13, $0xb8;
	[tilespmem:$0x1C800] =	vst v63  }
0xe0: {  	_ =	swait.ge [sflag:s26], $0x4000  }
0xe1: {  	[sflag:s26] =	ssyncset.done $0x0  }
0xe2: {  	[sflag:s26] =	ssyncadd.s32 $0xFFFFC000  }
0xe3: {  	[hbm4b:s1+s2] =	stream.linear.scatter [tilespmem:s23], [sflag:$0x8], $0x4000, $0x38;
	[tilespmem:$0x1C800] =	vst v63  }
0xe4: {  	_ =	swait.ge [sflag:s28], $0x4000  }
0xe5: {  	[sflag:s28] =	ssyncset.done $0x0  }
0xe6: {  	s16 =	sadd.s32 $0x6680, s14;
	[sflag:s28] =	ssyncadd.s32 $0xFFFFC000  }
0xe7: {  	[tilespmem:s17], [sflag:$0x2] =	stream.indirect.gather [hbm4b:s3+s13], $0x80, s16, s13, $0xb8;
	[tilespmem:$0x1C800] =	vst v63  }
0xe8: {  	_ =	swait.ge [sflag:s18], $0x4000  }
0xe9: {  	[sflag:s18] =	ssyncset.done $0x0  }
0xea: {  	s16 =	sadd.s32 $0x800, s1;
	[sflag:s18] =	ssyncadd.s32 $0xFFFFC000  }
0xeb: {  	[hbm4b:s16+s2] =	stream.linear.scatter [tilespmem:s15], [sflag:$0x5], $0x4000, $0x38;
	[tilespmem:$0x1C800] =	vst v63  }
0xec: {  	_ =	swait.ge [sflag:s29], $0x4000  }
0xed: {  	[sflag:s29] =	ssyncset.done $0x0  }
0xee: {  	s16 =	sadd.s32 $0x6700, s14;
	[sflag:s29] =	ssyncadd.s32 $0xFFFFC000  }
0xef: {  	[tilespmem:s20], [sflag:$0x3] =	stream.indirect.gather [hbm4b:s3+s13], $0x80, s16, s13, $0xb8;
	[tilespmem:$0x1C800] =	vst v63  }
0xf0: {  	_ =	swait.ge [sflag:s21], $0x4000  }
0xf1: {  	[sflag:s21] =	ssyncset.done $0x0  }
.Ltmp1:
0xf2: {  	s16 =	sadd.s32 $0x1000, s1;
	[sflag:s21] =	ssyncadd.s32 $0xFFFFC000;
	(pc) =	sbr.rel @p0 .LBB2_4-.Ltmp1, $4  }
0xf3: {  	[hbm4b:s16+s2] =	stream.linear.scatter [tilespmem:s17], [sflag:$0x6], $0x4000, $0x38;
	[tilespmem:$0x1C800] =	vst v63  }
0xf4: {  	_ =	swait.ge [sflag:s30], $0x4000  }
0xf5: {  	[sflag:s30] =	ssyncset.done $0x0  }
0xf6: {  	s14 =	sadd.s32 $0x6780, s14;
	s1 =	sadd.s32 $0x2000, s1;
	[sflag:s30] =	ssyncadd.s32 $0xFFFFC000  }
0xf7: {  	[tilespmem:s23], [sflag:$0x4] =	stream.indirect.gather [hbm4b:s3+s13], $0x80, s14, s13, $0xb8;
	[tilespmem:$0x1C800] =	vst v63  }
0xf8: {  	_ =	swait.ge [sflag:s24], $0x4000  }
0xf9: {  	[sflag:s24] =	ssyncset.done $0x0  }
0xfa: {  	[sflag:s24] =	ssyncadd.s32 $0xFFFFC000  }
0xfb: {  	[hbm4b:s7+s2] =	stream.linear.scatter [tilespmem:s20], [sflag:$0x7], $0x4000, $0x38;
	[tilespmem:$0x1C800] =	vst v63  }
0xfc: {  	_ =	swait.ge [sflag:s26], $0x4000  }
0xfd: {  	[sflag:s26] =	ssyncset.done $0x0  }
0xfe: {  	[sflag:s26] =	ssyncadd.s32 $0xFFFFC000  }
0xff: {  	[hbm4b:s8+s2] =	stream.linear.scatter [tilespmem:s23], [sflag:$0x8], $0x4000, $0x38;
	[tilespmem:$0x1C800] =	vst v63  }
0x100: {  	_ =	swait.ge [sflag:s25], $0x4000  }
0x101: {  	[sflag:s25] =	ssyncset.done $0x0  }
0x102: {  	[sflag:s25] =	ssyncadd.s32 $0xFFFFC000  }
0x103: {  	_ =	swait.ge [sflag:s28], $0x4000  }
0x104: {  	[sflag:s28] =	ssyncset.done $0x0  }
0x105: {  	s31 =	sadd.s32 $0x1, s31;
	[sflag:s28] =	ssyncadd.s32 $0xFFFFC000  }
0x106: {  	p0 =	sne.s32 s31, s9;
	_ =	swait.ge [sflag:s29], $0x4000  }
.Ltmp2:
0x107: {  	[sflag:s29] =	ssyncset.done $0x0;
	(pc) =	sbr.rel @p0 .LBB2_1-.Ltmp2, $4  }
0x108: {  	[sflag:s29] =	ssyncadd.s32 $0xFFFFC000  }
0x109: {  	_ =	swait.ge [sflag:s30], $0x4000  }
0x10a: {  	[sflag:s30] =	ssyncset.done $0x0  }
0x10b: {  	[sflag:s30] =	ssyncadd.s32 $0xFFFFC000  }
0x10c: {  	_ =	sfence.sel $0x180000  }
0x10d: {  	[bflag:$0x0] =	sbarrier.arrive $0xFFFF  }
0x10e: {  	_ =	strace $0x90000047  }
0x10f: {  	s0 =	stileid.u32;
	[bflag:$0x2] =	sbarrier.arrive $0xFFFF  }
0x110: {  	p0 =	sne.s32 s0, $0x0;
	s0 =	rddreg [dreg:$0x2]  }
0x111: {  	s0 =	sadd.s32 @!p0 $0x100000, s0  }
0x112: {  	[sflag:s0] =	ssyncadd.tile.s32 @!p0 $0x1;
	_ =	shalt  }
.Lfunc_end2:
_tile_overlayer_lowered:
.L_overlay_start_2:
0x113: {  	(tag) =	ssettag $0x2  }
0x114: {  	s0 =	rddreg [dreg:$0x0];
	s2 =	stileid.u32  }
0x115: {  	s1 =	rddreg [dreg:$0x1];
	p0 =	sne.s32 s2, $0x0  }
0x116: {  	s3 =	rddreg [dreg:$0x2];
	[bflag:$0x3] =	sbarrier.arrive $0xFFFF;
	s2 =	simm.s32 @!p0 $0x1C09  }
0x117: {  	[timem:s3], [sflag:s2] =	dma.local @!p0 [hbm:s0], s1  }
0x118: {  	s0 =	simm.s32 @!p0 $0x9  }
0x119: {  	_ =	swait.ge @!p0 [sflag:s0], s1  }
0x11a: {  	s1 =	ssub.s32 @!p0 $0x0, s1;
	[sflag:s0] =	ssyncset.done @!p0 $0x0  }
0x11b: {  	[sflag:s0] =	ssyncadd.s32 @!p0 s1  }
0x11c: {  	[bflag:$0x3] =	sbarrier.arrive $0xFFFF  }
0x11d: {  	_ =	shalt  }

</sc_bundles>
